<compile_context>
chip_gen: v7x
topology: tpu7x:2x2x1
jax: 0.10.2.dev20260603
libtpu: 0.0.44.dev20260713+nightly
codegen_flags: <defaults>
</compile_context>

<pallas_src>
import functools

import jax
import jax.numpy as jnp
from jax import lax
from jax.experimental import pallas as pl
from jax.experimental.pallas import tpu as pltpu
from jax.experimental.pallas import tpu_sc as plsc

NC = 2
NS = 16
NW = NC * NS
CHUNK = 128


def _seg_sum_body(last_tile, cpt,
                  h_hbm, ei_hbm, tsrc_hbm, tdst_hbm, zblk_hbm,
                  out_hbm, src_v, dst_v, rows_a, rows_b, acc_sh, sem_a, sem_b):
    cpt2 = src_v.shape[0]
    n_pad = acc_sh.shape[0]
    rows_per_tile = n_pad // NS
    cid = lax.axis_index("c")
    sid = lax.axis_index("s")
    wid = cid * NS + sid

    row0 = sid * rows_per_tile
    for r in range(rows_per_tile // CHUNK):
        pltpu.sync_copy(zblk_hbm, acc_sh.at[pl.ds(row0 + r * CHUNK, CHUNK)])
    plsc.subcore_barrier()

    bufs = (rows_a, rows_b)
    sems = (sem_a, sem_b)
    for half in range(2):
        chunk0 = pl.multiple_of(wid * cpt + half * cpt2, 8)

        @pl.when(wid < last_tile)
        def _stage_real():
            pltpu.sync_copy(ei_hbm.at[0, pl.ds(chunk0, cpt2)], src_v)
            pltpu.sync_copy(ei_hbm.at[1, pl.ds(chunk0, cpt2)], dst_v)

        @pl.when(wid >= last_tile)
        def _stage_tail():
            toff = pl.multiple_of(chunk0 - last_tile * cpt, 8)
            pltpu.sync_copy(tsrc_hbm.at[pl.ds(toff, cpt2)], src_v)
            pltpu.sync_copy(tdst_hbm.at[pl.ds(toff, cpt2)], dst_v)
        pltpu.async_copy(h_hbm.at[src_v.at[0]], rows_a, sem_a)
        pltpu.async_copy(h_hbm.at[src_v.at[1]], rows_b, sem_b)

        def pair_body(j2, carry):
            for b in range(2):
                j = 2 * j2 + b
                pltpu.make_async_copy(
                    h_hbm.at[src_v.at[j]], bufs[b], sems[b]).wait()
                pltpu.sync_copy(bufs[b], acc_sh.at[dst_v.at[j]], add=True)
                pltpu.async_copy(h_hbm.at[src_v.at[j + 2]], bufs[b], sems[b])
            return carry

        lax.fori_loop(0, cpt2 // 2 - 1, pair_body, 0)
        for b in range(2):
            j = cpt2 - 2 + b
            pltpu.make_async_copy(
                h_hbm.at[src_v.at[j]], bufs[b], sems[b]).wait()
            pltpu.sync_copy(bufs[b], acc_sh.at[dst_v.at[j]], add=True)
    plsc.subcore_barrier()

    pltpu.sync_copy(acc_sh.at[pl.ds(row0, rows_per_tile)],
                    out_hbm.at[cid, pl.ds(row0, rows_per_tile)])


def _segment_sum_sc(h, edge_index, n_pad):
    n, d = h.shape
    e = edge_index.shape[1]
    cpt = -(-e // (NW * CHUNK))
    cpt = -(-cpt // 4) * 4
    ept = cpt * CHUNK
    e_pad = ept * NW
    assert e % CHUNK == 0
    last_tile = e // ept
    ei3 = edge_index.reshape(2, e // CHUNK, CHUNK)
    if last_tile < NW:
        n_fill = e_pad - e
        fill = jnp.arange(n_fill, dtype=jnp.int32)
        tail_src = jnp.concatenate(
            [edge_index[0, last_tile * ept:], fill % CHUNK]).reshape(-1, CHUNK)
        tail_dst = jnp.concatenate(
            [edge_index[1, last_tile * ept:],
             n + fill % (n_pad - n)]).reshape(-1, CHUNK)
    else:
        tail_src = jnp.zeros((cpt, CHUNK), jnp.int32)
        tail_dst = jnp.full((cpt, CHUNK), n, jnp.int32)
    zblk = jnp.zeros((CHUNK, d), jnp.float32)

    mesh = plsc.VectorSubcoreMesh(core_axis_name="c", subcore_axis_name="s",
                                  num_cores=NC, num_subcores=NS)
    grid_kernel = functools.partial(
        pl.kernel,
        out_type=jax.ShapeDtypeStruct((NC, n_pad, d), jnp.float32),
        mesh=mesh,
        scratch_types=[
            pltpu.VMEM((cpt // 2, CHUNK), jnp.int32),
            pltpu.VMEM((cpt // 2, CHUNK), jnp.int32),
            pltpu.VMEM((CHUNK, d), jnp.float32),
            pltpu.VMEM((CHUNK, d), jnp.float32),
            pltpu.VMEM_SHARED((n_pad, d), jnp.float32),
            pltpu.SemaphoreType.DMA,
            pltpu.SemaphoreType.DMA,
        ],
    )
    body = functools.partial(_seg_sum_body, last_tile, cpt)
    return grid_kernel(body)(h, ei3, tail_src, tail_dst, zblk)


def _gin_tc_body(h_ref, parts_ref, w1_ref, b1_ref, w2_ref, b2_ref,
                 eps_ref, g_ref, bt_ref, out_ref):
    n = h_ref.shape[0]
    h = h_ref[...]
    neigh = parts_ref[0, :n, :] + parts_ref[1, :n, :]
    z = (1.0 + eps_ref[0, 0]) * h + neigh
    z = jnp.dot(z, w1_ref[...], preferred_element_type=jnp.float32)
    z = jnp.maximum(z + b1_ref[...], 0.0)
    z = jnp.dot(z, w2_ref[...], preferred_element_type=jnp.float32)
    z = z + b2_ref[...]
    mean = jnp.mean(z, axis=0, keepdims=True)
    var = jnp.mean((z - mean) ** 2, axis=0, keepdims=True)
    z = (z - mean) * lax.rsqrt(var + 1e-5) * g_ref[...] + bt_ref[...]
    out_ref[...] = h + jnp.maximum(z, 0.0)


def kernel(h, edge_index, W1, b1, W2, b2, eps, bn_gamma, bn_beta):
    n, d = h.shape
    n_pad = -(-(n + 1) // (NS * CHUNK)) * NS * CHUNK
    parts = _segment_sum_sc(h, edge_index, n_pad)
    return pl.pallas_call(
        _gin_tc_body,
        out_shape=jax.ShapeDtypeStruct((n, d), jnp.float32),
    )(h, parts,
      W1, b1.reshape(1, d), W2, b2.reshape(1, d),
      jnp.reshape(eps, (1, 1)), bn_gamma.reshape(1, d), bn_beta.reshape(1, d))

# --- scband reference (transcript-rebuilt; emitter-appended) ---
"""Pipeline reference for scband-ginlayer-77567109366538 (READ-ONLY COPY).

The authoritative reference and input builder live on the scoring server;
editing this copy changes nothing except your own understanding.
"""

import jax, jax.numpy as jnp
import numpy as np

N = 10000
E = 320000
D = 128


def setup_inputs(seed: int = 0) -> dict:
    key = jax.random.key(seed)
    k1, k2, k3, k4 = jax.random.split(key, 4)
    h = jax.random.normal(k1, (N, D), dtype=jnp.float32)
    edge_index = jax.random.randint(k2, (2, E), 0, N, dtype=jnp.int32)
    W1 = jax.random.normal(k3, (D, D), dtype=jnp.float32) * 0.05
    b1 = jnp.zeros((D,), dtype=jnp.float32)
    W2 = jax.random.normal(k4, (D, D), dtype=jnp.float32) * 0.05
    b2 = jnp.zeros((D,), dtype=jnp.float32)
    eps = jnp.array(0.0, dtype=jnp.float32)
    bn_gamma = jnp.ones((D,), dtype=jnp.float32)
    bn_beta = jnp.zeros((D,), dtype=jnp.float32)
    return {"h": h, "edge_index": edge_index, "W1": W1, "b1": b1, "W2": W2, "b2": b2, "eps": eps, "bn_gamma": bn_gamma, "bn_beta": bn_beta}


def reference(h, edge_index, W1, b1, W2, b2, eps, bn_gamma, bn_beta):
    h_in = h
    src = edge_index[0]
    dst = edge_index[1]
    # message passing: copy_u('h','m') then sum reduce over incoming edges
    neigh = jax.ops.segment_sum(h[src], dst, num_segments=N)
    z = (1.0 + eps) * h + neigh
    # apply_func: GIN MLP (linear -> relu -> linear), indim == outdim == D
    z = jnp.maximum(jnp.dot(z, W1) + b1, 0.0)
    z = jnp.dot(z, W2) + b2
    # BatchNorm1d (training-mode batch statistics, eps=1e-5)
    mean = jnp.mean(z, axis=0)
    var = jnp.var(z, axis=0)
    z = (z - mean) / jnp.sqrt(var + 1e-5) * bn_gamma + bn_beta
    # activation
    z = jnp.maximum(z, 0.0)
    # residual (indim == outdim so residual stays enabled)
    z = h_in + z
    # dropout p=0.0 -> identity
    return z

if __name__ == "__main__":
    import jax
    _d = setup_inputs()
    print(jax.jit(kernel)(*tuple(_d.values())))

</pallas_src>

<mosaic_0001>
#map = affine_map<(d0, d1) -> (0, 0)>
#map1 = affine_map<(d0, d1) -> (0, 0, 0)>
module attributes {stable_mosaic.version = 14 : i64} {
  func.func @_seg_sum_body(%arg0: i32, %arg1: i32, %arg2: memref<10000x128xf32, #tpu.memory_space<hbm>>, %arg3: memref<2x2500x128xi32, #tpu.memory_space<hbm>>, %arg4: memref<80x128xi32, #tpu.memory_space<hbm>>, %arg5: memref<80x128xi32, #tpu.memory_space<hbm>>, %arg6: memref<128x128xf32, #tpu.memory_space<hbm>>, %arg7: memref<2x10240x128xf32, #tpu.memory_space<hbm>>, %arg8: memref<40x128xi32, #tpu.memory_space<vmem>>, %arg9: memref<40x128xi32, #tpu.memory_space<vmem>>, %arg10: memref<128x128xf32, #tpu.memory_space<vmem>>, %arg11: memref<128x128xf32, #tpu.memory_space<vmem>>, %arg12: memref<10240x128xf32, #tpu.memory_space<vmem_shared>>, %arg13: memref<!tpu.dma_semaphore, #tpu.memory_space<semaphore_mem>>, %arg14: memref<!tpu.dma_semaphore, #tpu.memory_space<semaphore_mem>>) attributes {dimension_semantics = [#tpu.dimension_semantics<core_parallel>, #tpu.dimension_semantics<subcore_parallel>], iteration_bounds = array<i64: 2, 16>, scalar_prefetch = 0 : i64, scratch_operands = 7 : i64, tpu.core_type = #tpu.core_type<sc_vector_subcore>, window_params = [{transform_indices = #map}, {transform_indices = #map1}, {transform_indices = #map}, {transform_indices = #map}, {transform_indices = #map}, {transform_indices = #map1}]} {
    %mul3A = arith.constant 16 : i32
    %mul3A_0 = arith.muli %arg0, %mul3A : i32
    %add3A = arith.addi %mul3A_0, %arg1 : i32
    %mul3A_1 = arith.constant 640 : i32
    %mul3A_2 = arith.muli %arg1, %mul3A_1 : i32
    %add3A_3 = arith.constant 0 : i32
    %add3A_4 = arith.addi %mul3A_2, %add3A_3 : i32
    "tpu.region"() ({
      %run_scoped3A_107 = tpu.sem_alloc : memref<!tpu.dma_semaphore, #tpu.memory_space<semaphore_mem>>
      %dma_start3A_108 = arith.constant 0 : i32
      %dma_start3A_109 = tpu.memref_slice %arg12[%add3A_4, %dma_start3A_108] : memref<10240x128xf32, #tpu.memory_space<vmem_shared>> -> memref<128x128xf32, #tpu.memory_space<vmem_shared>>
      tpu.enqueue_dma source(%arg6 : memref<128x128xf32, #tpu.memory_space<hbm>>) target(%dma_start3A_109 : memref<128x128xf32, #tpu.memory_space<vmem_shared>>) target_semaphore(%run_scoped3A_107 : memref<!tpu.dma_semaphore, #tpu.memory_space<semaphore_mem>>)
      %dma_wait3A_110 = arith.constant 0 : i32
      %dma_wait3A_111 = tpu.memref_slice %arg12[%add3A_4, %dma_wait3A_110] : memref<10240x128xf32, #tpu.memory_space<vmem_shared>> -> memref<128x128xf32, #tpu.memory_space<vmem_shared>>
      tpu.wait_dma2 semaphore(%run_scoped3A_107 : memref<!tpu.dma_semaphore, #tpu.memory_space<semaphore_mem>>) src(%arg6 : memref<128x128xf32, #tpu.memory_space<hbm>>) dst(%dma_wait3A_111 : memref<128x128xf32, #tpu.memory_space<vmem_shared>>)
      tpu.yield
    }) : () -> ()
    %add3A_5 = arith.constant 128 : i32
    %add3A_6 = arith.addi %mul3A_2, %add3A_5 : i32
    "tpu.region"() ({
      %run_scoped3A_107 = tpu.sem_alloc : memref<!tpu.dma_semaphore, #tpu.memory_space<semaphore_mem>>
      %dma_start3A_108 = arith.constant 0 : i32
      %dma_start3A_109 = tpu.memref_slice %arg12[%add3A_6, %dma_start3A_108] : memref<10240x128xf32, #tpu.memory_space<vmem_shared>> -> memref<128x128xf32, #tpu.memory_space<vmem_shared>>
      tpu.enqueue_dma source(%arg6 : memref<128x128xf32, #tpu.memory_space<hbm>>) target(%dma_start3A_109 : memref<128x128xf32, #tpu.memory_space<vmem_shared>>) target_semaphore(%run_scoped3A_107 : memref<!tpu.dma_semaphore, #tpu.memory_space<semaphore_mem>>)
      %dma_wait3A_110 = arith.constant 0 : i32
      %dma_wait3A_111 = tpu.memref_slice %arg12[%add3A_6, %dma_wait3A_110] : memref<10240x128xf32, #tpu.memory_space<vmem_shared>> -> memref<128x128xf32, #tpu.memory_space<vmem_shared>>
      tpu.wait_dma2 semaphore(%run_scoped3A_107 : memref<!tpu.dma_semaphore, #tpu.memory_space<semaphore_mem>>) src(%arg6 : memref<128x128xf32, #tpu.memory_space<hbm>>) dst(%dma_wait3A_111 : memref<128x128xf32, #tpu.memory_space<vmem_shared>>)
      tpu.yield
    }) : () -> ()
    %add3A_7 = arith.constant 256 : i32
    %add3A_8 = arith.addi %mul3A_2, %add3A_7 : i32
    "tpu.region"() ({
      %run_scoped3A_107 = tpu.sem_alloc : memref<!tpu.dma_semaphore, #tpu.memory_space<semaphore_mem>>
      %dma_start3A_108 = arith.constant 0 : i32
      %dma_start3A_109 = tpu.memref_slice %arg12[%add3A_8, %dma_start3A_108] : memref<10240x128xf32, #tpu.memory_space<vmem_shared>> -> memref<128x128xf32, #tpu.memory_space<vmem_shared>>
      tpu.enqueue_dma source(%arg6 : memref<128x128xf32, #tpu.memory_space<hbm>>) target(%dma_start3A_109 : memref<128x128xf32, #tpu.memory_space<vmem_shared>>) target_semaphore(%run_scoped3A_107 : memref<!tpu.dma_semaphore, #tpu.memory_space<semaphore_mem>>)
      %dma_wait3A_110 = arith.constant 0 : i32
      %dma_wait3A_111 = tpu.memref_slice %arg12[%add3A_8, %dma_wait3A_110] : memref<10240x128xf32, #tpu.memory_space<vmem_shared>> -> memref<128x128xf32, #tpu.memory_space<vmem_shared>>
      tpu.wait_dma2 semaphore(%run_scoped3A_107 : memref<!tpu.dma_semaphore, #tpu.memory_space<semaphore_mem>>) src(%arg6 : memref<128x128xf32, #tpu.memory_space<hbm>>) dst(%dma_wait3A_111 : memref<128x128xf32, #tpu.memory_space<vmem_shared>>)
      tpu.yield
    }) : () -> ()
    %add3A_9 = arith.constant 384 : i32
    %add3A_10 = arith.addi %mul3A_2, %add3A_9 : i32
    "tpu.region"() ({
      %run_scoped3A_107 = tpu.sem_alloc : memref<!tpu.dma_semaphore, #tpu.memory_space<semaphore_mem>>
      %dma_start3A_108 = arith.constant 0 : i32
      %dma_start3A_109 = tpu.memref_slice %arg12[%add3A_10, %dma_start3A_108] : memref<10240x128xf32, #tpu.memory_space<vmem_shared>> -> memref<128x128xf32, #tpu.memory_space<vmem_shared>>
      tpu.enqueue_dma source(%arg6 : memref<128x128xf32, #tpu.memory_space<hbm>>) target(%dma_start3A_109 : memref<128x128xf32, #tpu.memory_space<vmem_shared>>) target_semaphore(%run_scoped3A_107 : memref<!tpu.dma_semaphore, #tpu.memory_space<semaphore_mem>>)
      %dma_wait3A_110 = arith.constant 0 : i32
      %dma_wait3A_111 = tpu.memref_slice %arg12[%add3A_10, %dma_wait3A_110] : memref<10240x128xf32, #tpu.memory_space<vmem_shared>> -> memref<128x128xf32, #tpu.memory_space<vmem_shared>>
      tpu.wait_dma2 semaphore(%run_scoped3A_107 : memref<!tpu.dma_semaphore, #tpu.memory_space<semaphore_mem>>) src(%arg6 : memref<128x128xf32, #tpu.memory_space<hbm>>) dst(%dma_wait3A_111 : memref<128x128xf32, #tpu.memory_space<vmem_shared>>)
      tpu.yield
    }) : () -> ()
    %add3A_11 = arith.constant 512 : i32
    %add3A_12 = arith.addi %mul3A_2, %add3A_11 : i32
    "tpu.region"() ({
      %run_scoped3A_107 = tpu.sem_alloc : memref<!tpu.dma_semaphore, #tpu.memory_space<semaphore_mem>>
      %dma_start3A_108 = arith.constant 0 : i32
      %dma_start3A_109 = tpu.memref_slice %arg12[%add3A_12, %dma_start3A_108] : memref<10240x128xf32, #tpu.memory_space<vmem_shared>> -> memref<128x128xf32, #tpu.memory_space<vmem_shared>>
      tpu.enqueue_dma source(%arg6 : memref<128x128xf32, #tpu.memory_space<hbm>>) target(%dma_start3A_109 : memref<128x128xf32, #tpu.memory_space<vmem_shared>>) target_semaphore(%run_scoped3A_107 : memref<!tpu.dma_semaphore, #tpu.memory_space<semaphore_mem>>)
      %dma_wait3A_110 = arith.constant 0 : i32
      %dma_wait3A_111 = tpu.memref_slice %arg12[%add3A_12, %dma_wait3A_110] : memref<10240x128xf32, #tpu.memory_space<vmem_shared>> -> memref<128x128xf32, #tpu.memory_space<vmem_shared>>
      tpu.wait_dma2 semaphore(%run_scoped3A_107 : memref<!tpu.dma_semaphore, #tpu.memory_space<semaphore_mem>>) src(%arg6 : memref<128x128xf32, #tpu.memory_space<hbm>>) dst(%dma_wait3A_111 : memref<128x128xf32, #tpu.memory_space<vmem_shared>>)
      tpu.yield
    }) : () -> ()
    %barrier3A = arith.constant 0 : index
    tpu.barrier barrier_id(%barrier3A)
    %mul3A_13 = arith.constant 80 : i32
    %mul3A_14 = arith.muli %add3A, %mul3A_13 : i32
    %add3A_15 = arith.constant 0 : i32
    %add3A_16 = arith.addi %mul3A_14, %add3A_15 : i32
    %multiple_of3A = tpu.assume_multiple %add3A_16, 8 : i32
    %lt3A = arith.constant 31 : i32
    %lt3A_17 = arith.cmpi slt, %add3A, %lt3A : i32
    %convert_element_type3A = arith.extui %lt3A_17 : i1 to i32
    %cond3A = arith.constant 0 : i32
    %cond3A_18 = arith.cmpi ne, %convert_element_type3A, %cond3A : i32
    scf.if %cond3A_18 {
      %run_scoped3A_107 = arith.constant 0 : i32
      "tpu.region"() ({
        %run_scoped3A_109 = tpu.sem_alloc : memref<!tpu.dma_semaphore, #tpu.memory_space<semaphore_mem>>
        %dma_start3A_110 = arith.constant 0 : i32
        %dma_start3A_111 = tpu.memref_slice %arg3[%run_scoped3A_107, %multiple_of3A, %dma_start3A_110] : memref<2x2500x128xi32, #tpu.memory_space<hbm>> -> memref<1x40x128xi32, #tpu.memory_space<hbm>>
        %dma_start3A_112 = tpu.memref_squeeze %dma_start3A_111 : memref<1x40x128xi32, #tpu.memory_space<hbm>> -> memref<40x128xi32, #tpu.memory_space<hbm>>
        %dma_start3A_113 = arith.constant 0 : i32
        %dma_start3A_114 = tpu.memref_slice %arg3[%run_scoped3A_107, %multiple_of3A, %dma_start3A_113] : memref<2x2500x128xi32, #tpu.memory_space<hbm>> -> memref<1x40x128xi32, #tpu.memory_space<hbm>>
        %dma_start3A_115 = tpu.memref_squeeze %dma_start3A_114 : memref<1x40x128xi32, #tpu.memory_space<hbm>> -> memref<40x128xi32, #tpu.memory_space<hbm>>
        tpu.enqueue_dma source(%dma_start3A_115 : memref<40x128xi32, #tpu.memory_space<hbm>>) target(%arg8 : memref<40x128xi32, #tpu.memory_space<vmem>>) target_semaphore(%run_scoped3A_109 : memref<!tpu.dma_semaphore, #tpu.memory_space<semaphore_mem>>)
        %dma_wait3A_116 = arith.constant 0 : i32
        %dma_wait3A_117 = tpu.memref_slice %arg3[%run_scoped3A_107, %multiple_of3A, %dma_wait3A_116] : memref<2x2500x128xi32, #tpu.memory_space<hbm>> -> memref<1x40x128xi32, #tpu.memory_space<hbm>>
        %dma_wait3A_118 = tpu.memref_squeeze %dma_wait3A_117 : memref<1x40x128xi32, #tpu.memory_space<hbm>> -> memref<40x128xi32, #tpu.memory_space<hbm>>
        %dma_wait3A_119 = arith.constant 0 : i32
        %dma_wait3A_120 = tpu.memref_slice %arg3[%run_scoped3A_107, %multiple_of3A, %dma_wait3A_119] : memref<2x2500x128xi32, #tpu.memory_space<hbm>> -> memref<1x40x128xi32, #tpu.memory_space<hbm>>
        %dma_wait3A_121 = tpu.memref_squeeze %dma_wait3A_120 : memref<1x40x128xi32, #tpu.memory_space<hbm>> -> memref<40x128xi32, #tpu.memory_space<hbm>>
        tpu.wait_dma2 semaphore(%run_scoped3A_109 : memref<!tpu.dma_semaphore, #tpu.memory_space<semaphore_mem>>) src(%dma_wait3A_121 : memref<40x128xi32, #tpu.memory_space<hbm>>) dst(%arg8 : memref<40x128xi32, #tpu.memory_space<vmem>>)
        tpu.yield
      }) : () -> ()
      %run_scoped3A_108 = arith.constant 1 : i32
      "tpu.region"() ({
        %run_scoped3A_109 = tpu.sem_alloc : memref<!tpu.dma_semaphore, #tpu.memory_space<semaphore_mem>>
        %dma_start3A_110 = arith.constant 0 : i32
        %dma_start3A_111 = tpu.memref_slice %arg3[%run_scoped3A_108, %multiple_of3A, %dma_start3A_110] : memref<2x2500x128xi32, #tpu.memory_space<hbm>> -> memref<1x40x128xi32, #tpu.memory_space<hbm>>
        %dma_start3A_112 = tpu.memref_squeeze %dma_start3A_111 : memref<1x40x128xi32, #tpu.memory_space<hbm>> -> memref<40x128xi32, #tpu.memory_space<hbm>>
        %dma_start3A_113 = arith.constant 0 : i32
        %dma_start3A_114 = tpu.memref_slice %arg3[%run_scoped3A_108, %multiple_of3A, %dma_start3A_113] : memref<2x2500x128xi32, #tpu.memory_space<hbm>> -> memref<1x40x128xi32, #tpu.memory_space<hbm>>
        %dma_start3A_115 = tpu.memref_squeeze %dma_start3A_114 : memref<1x40x128xi32, #tpu.memory_space<hbm>> -> memref<40x128xi32, #tpu.memory_space<hbm>>
        tpu.enqueue_dma source(%dma_start3A_115 : memref<40x128xi32, #tpu.memory_space<hbm>>) target(%arg9 : memref<40x128xi32, #tpu.memory_space<vmem>>) target_semaphore(%run_scoped3A_109 : memref<!tpu.dma_semaphore, #tpu.memory_space<semaphore_mem>>)
        %dma_wait3A_116 = arith.constant 0 : i32
        %dma_wait3A_117 = tpu.memref_slice %arg3[%run_scoped3A_108, %multiple_of3A, %dma_wait3A_116] : memref<2x2500x128xi32, #tpu.memory_space<hbm>> -> memref<1x40x128xi32, #tpu.memory_space<hbm>>
        %dma_wait3A_118 = tpu.memref_squeeze %dma_wait3A_117 : memref<1x40x128xi32, #tpu.memory_space<hbm>> -> memref<40x128xi32, #tpu.memory_space<hbm>>
        %dma_wait3A_119 = arith.constant 0 : i32
        %dma_wait3A_120 = tpu.memref_slice %arg3[%run_scoped3A_108, %multiple_of3A, %dma_wait3A_119] : memref<2x2500x128xi32, #tpu.memory_space<hbm>> -> memref<1x40x128xi32, #tpu.memory_space<hbm>>
        %dma_wait3A_121 = tpu.memref_squeeze %dma_wait3A_120 : memref<1x40x128xi32, #tpu.memory_space<hbm>> -> memref<40x128xi32, #tpu.memory_space<hbm>>
        tpu.wait_dma2 semaphore(%run_scoped3A_109 : memref<!tpu.dma_semaphore, #tpu.memory_space<semaphore_mem>>) src(%dma_wait3A_121 : memref<40x128xi32, #tpu.memory_space<hbm>>) dst(%arg9 : memref<40x128xi32, #tpu.memory_space<vmem>>)
        tpu.yield
      }) : () -> ()
    } else {
    }
    %ge3A = arith.constant 31 : i32
    %ge3A_19 = arith.cmpi sge, %add3A, %ge3A : i32
    %convert_element_type3A_20 = arith.extui %ge3A_19 : i1 to i32
    %cond3A_21 = arith.constant 0 : i32
    %cond3A_22 = arith.cmpi ne, %convert_element_type3A_20, %cond3A_21 : i32
    scf.if %cond3A_22 {
      %sub3A = arith.constant 2480 : i32
      %sub3A_107 = arith.subi %multiple_of3A, %sub3A : i32
      %multiple_of3A_108 = tpu.assume_multiple %sub3A_107, 8 : i32
      "tpu.region"() ({
        %run_scoped3A_109 = tpu.sem_alloc : memref<!tpu.dma_semaphore, #tpu.memory_space<semaphore_mem>>
        %dma_start3A_110 = arith.constant 0 : i32
        %dma_start3A_111 = tpu.memref_slice %arg4[%multiple_of3A_108, %dma_start3A_110] : memref<80x128xi32, #tpu.memory_space<hbm>> -> memref<40x128xi32, #tpu.memory_space<hbm>>
        %dma_start3A_112 = arith.constant 0 : i32
        %dma_start3A_113 = tpu.memref_slice %arg4[%multiple_of3A_108, %dma_start3A_112] : memref<80x128xi32, #tpu.memory_space<hbm>> -> memref<40x128xi32, #tpu.memory_space<hbm>>
        tpu.enqueue_dma source(%dma_start3A_113 : memref<40x128xi32, #tpu.memory_space<hbm>>) target(%arg8 : memref<40x128xi32, #tpu.memory_space<vmem>>) target_semaphore(%run_scoped3A_109 : memref<!tpu.dma_semaphore, #tpu.memory_space<semaphore_mem>>)
        %dma_wait3A_114 = arith.constant 0 : i32
        %dma_wait3A_115 = tpu.memref_slice %arg4[%multiple_of3A_108, %dma_wait3A_114] : memref<80x128xi32, #tpu.memory_space<hbm>> -> memref<40x128xi32, #tpu.memory_space<hbm>>
        %dma_wait3A_116 = arith.constant 0 : i32
        %dma_wait3A_117 = tpu.memref_slice %arg4[%multiple_of3A_108, %dma_wait3A_116] : memref<80x128xi32, #tpu.memory_space<hbm>> -> memref<40x128xi32, #tpu.memory_space<hbm>>
        tpu.wait_dma2 semaphore(%run_scoped3A_109 : memref<!tpu.dma_semaphore, #tpu.memory_space<semaphore_mem>>) src(%dma_wait3A_117 : memref<40x128xi32, #tpu.memory_space<hbm>>) dst(%arg8 : memref<40x128xi32, #tpu.memory_space<vmem>>)
        tpu.yield
      }) : () -> ()
      "tpu.region"() ({
        %run_scoped3A_109 = tpu.sem_alloc : memref<!tpu.dma_semaphore, #tpu.memory_space<semaphore_mem>>
        %dma_start3A_110 = arith.constant 0 : i32
        %dma_start3A_111 = tpu.memref_slice %arg5[%multiple_of3A_108, %dma_start3A_110] : memref<80x128xi32, #tpu.memory_space<hbm>> -> memref<40x128xi32, #tpu.memory_space<hbm>>
        %dma_start3A_112 = arith.constant 0 : i32
        %dma_start3A_113 = tpu.memref_slice %arg5[%multiple_of3A_108, %dma_start3A_112] : memref<80x128xi32, #tpu.memory_space<hbm>> -> memref<40x128xi32, #tpu.memory_space<hbm>>
        tpu.enqueue_dma source(%dma_start3A_113 : memref<40x128xi32, #tpu.memory_space<hbm>>) target(%arg9 : memref<40x128xi32, #tpu.memory_space<vmem>>) target_semaphore(%run_scoped3A_109 : memref<!tpu.dma_semaphore, #tpu.memory_space<semaphore_mem>>)
        %dma_wait3A_114 = arith.constant 0 : i32
        %dma_wait3A_115 = tpu.memref_slice %arg5[%multiple_of3A_108, %dma_wait3A_114] : memref<80x128xi32, #tpu.memory_space<hbm>> -> memref<40x128xi32, #tpu.memory_space<hbm>>
        %dma_wait3A_116 = arith.constant 0 : i32
        %dma_wait3A_117 = tpu.memref_slice %arg5[%multiple_of3A_108, %dma_wait3A_116] : memref<80x128xi32, #tpu.memory_space<hbm>> -> memref<40x128xi32, #tpu.memory_space<hbm>>
        tpu.wait_dma2 semaphore(%run_scoped3A_109 : memref<!tpu.dma_semaphore, #tpu.memory_space<semaphore_mem>>) src(%dma_wait3A_117 : memref<40x128xi32, #tpu.memory_space<hbm>>) dst(%arg9 : memref<40x128xi32, #tpu.memory_space<vmem>>)
        tpu.yield
      }) : () -> ()
    } else {
    }
    %dma_start3A = arith.constant 0 : i32
    %dma_start3A_23 = arith.constant 0 : i32
    %dma_start3A_24 = tpu.memref_slice %arg8[%dma_start3A, %dma_start3A_23] : memref<40x128xi32, #tpu.memory_space<vmem>> -> memref<1x128xi32, #tpu.memory_space<vmem>>
    %dma_start3A_25 = tpu.memref_squeeze %dma_start3A_24 : memref<1x128xi32, #tpu.memory_space<vmem>> -> memref<128xi32, #tpu.memory_space<vmem>>
    %dma_start3A_26 = arith.constant 0 : i32
    %dma_start3A_27 = arith.constant 0 : i32
    %dma_start3A_28 = tpu.memref_slice %arg2[%dma_start3A_26, %dma_start3A_27] : memref<10000x128xf32, #tpu.memory_space<hbm>> -> memref<10000x128xf32, #tpu.memory_space<hbm>>
    tpu.enqueue_indirect_dma source(%dma_start3A_28 : memref<10000x128xf32, #tpu.memory_space<hbm>>) target(%arg10 : memref<128x128xf32, #tpu.memory_space<vmem>>) offsets(%dma_start3A_25 : memref<128xi32, #tpu.memory_space<vmem>>) semaphore(%arg13 : memref<!tpu.dma_semaphore, #tpu.memory_space<semaphore_mem>>)
    %dma_start3A_29 = arith.constant 1 : i32
    %dma_start3A_30 = arith.constant 0 : i32
    %dma_start3A_31 = tpu.memref_slice %arg8[%dma_start3A_29, %dma_start3A_30] : memref<40x128xi32, #tpu.memory_space<vmem>> -> memref<1x128xi32, #tpu.memory_space<vmem>>
    %dma_start3A_32 = tpu.memref_squeeze %dma_start3A_31 : memref<1x128xi32, #tpu.memory_space<vmem>> -> memref<128xi32, #tpu.memory_space<vmem>>
    %dma_start3A_33 = arith.constant 0 : i32
    %dma_start3A_34 = arith.constant 0 : i32
    %dma_start3A_35 = tpu.memref_slice %arg2[%dma_start3A_33, %dma_start3A_34] : memref<10000x128xf32, #tpu.memory_space<hbm>> -> memref<10000x128xf32, #tpu.memory_space<hbm>>
    tpu.enqueue_indirect_dma source(%dma_start3A_35 : memref<10000x128xf32, #tpu.memory_space<hbm>>) target(%arg11 : memref<128x128xf32, #tpu.memory_space<vmem>>) offsets(%dma_start3A_32 : memref<128xi32, #tpu.memory_space<vmem>>) semaphore(%arg14 : memref<!tpu.dma_semaphore, #tpu.memory_space<semaphore_mem>>)
    %scan3A = arith.constant 0 : i32
    %scan3A_36 = arith.constant 0 : i32
    %scan3A_37 = arith.constant 19 : i32
    %scan3A_38 = arith.addi %scan3A_36, %scan3A_37 : i32
    %scan3A_39 = arith.constant 1 : i32
    scf.for %scan3A_107 = %scan3A_36 to %scan3A_38 step %scan3A_39  : i32 {
      %mul3A_108 = arith.constant 2 : i32
      %mul3A_109 = arith.muli %mul3A_108, %scan3A_107 : i32
      %add3A_110 = arith.constant 0 : i32
      %add3A_111 = arith.addi %mul3A_109, %add3A_110 : i32
      %dma_wait3A_112 = arith.constant 0 : i32
      %dma_wait3A_113 = tpu.memref_slice %arg8[%add3A_111, %dma_wait3A_112] : memref<40x128xi32, #tpu.memory_space<vmem>> -> memref<1x128xi32, #tpu.memory_space<vmem>>
      %dma_wait3A_114 = tpu.memref_squeeze %dma_wait3A_113 : memref<1x128xi32, #tpu.memory_space<vmem>> -> memref<128xi32, #tpu.memory_space<vmem>>
      %dma_wait3A_115 = arith.constant 0 : i32
      %dma_wait3A_116 = arith.constant 0 : i32
      %dma_wait3A_117 = tpu.memref_slice %arg2[%dma_wait3A_115, %dma_wait3A_116] : memref<10000x128xf32, #tpu.memory_space<hbm>> -> memref<10000x128xf32, #tpu.memory_space<hbm>>
      tpu.wait_indirect_dma semaphore(%arg13 : memref<!tpu.dma_semaphore, #tpu.memory_space<semaphore_mem>>) src(%dma_wait3A_117 : memref<10000x128xf32, #tpu.memory_space<hbm>>) dst(%arg10 : memref<128x128xf32, #tpu.memory_space<vmem>>)
      "tpu.region"() ({
        %run_scoped3A_144 = tpu.sem_alloc : memref<!tpu.dma_semaphore, #tpu.memory_space<semaphore_mem>>
        %dma_start3A_145 = arith.constant 0 : i32
        %dma_start3A_146 = tpu.memref_slice %arg9[%add3A_111, %dma_start3A_145] : memref<40x128xi32, #tpu.memory_space<vmem>> -> memref<1x128xi32, #tpu.memory_space<vmem>>
        %dma_start3A_147 = tpu.memref_squeeze %dma_start3A_146 : memref<1x128xi32, #tpu.memory_space<vmem>> -> memref<128xi32, #tpu.memory_space<vmem>>
        %dma_start3A_148 = arith.constant 0 : i32
        %dma_start3A_149 = arith.constant 0 : i32
        %dma_start3A_150 = tpu.memref_slice %arg12[%dma_start3A_148, %dma_start3A_149] : memref<10240x128xf32, #tpu.memory_space<vmem_shared>> -> memref<10240x128xf32, #tpu.memory_space<vmem_shared>>
        tpu.enqueue_indirect_dma source(%arg10 : memref<128x128xf32, #tpu.memory_space<vmem>>) target(%dma_start3A_150 : memref<10240x128xf32, #tpu.memory_space<vmem_shared>>) offsets(%dma_start3A_147 : memref<128xi32, #tpu.memory_space<vmem>>) semaphore(%run_scoped3A_144 : memref<!tpu.dma_semaphore, #tpu.memory_space<semaphore_mem>>) {add = true}
        %dma_wait3A_151 = arith.constant 0 : i32
        %dma_wait3A_152 = tpu.memref_slice %arg9[%add3A_111, %dma_wait3A_151] : memref<40x128xi32, #tpu.memory_space<vmem>> -> memref<1x128xi32, #tpu.memory_space<vmem>>
        %dma_wait3A_153 = tpu.memref_squeeze %dma_wait3A_152 : memref<1x128xi32, #tpu.memory_space<vmem>> -> memref<128xi32, #tpu.memory_space<vmem>>
        %dma_wait3A_154 = arith.constant 0 : i32
        %dma_wait3A_155 = arith.constant 0 : i32
        %dma_wait3A_156 = tpu.memref_slice %arg12[%dma_wait3A_154, %dma_wait3A_155] : memref<10240x128xf32, #tpu.memory_space<vmem_shared>> -> memref<10240x128xf32, #tpu.memory_space<vmem_shared>>
        tpu.wait_indirect_dma semaphore(%run_scoped3A_144 : memref<!tpu.dma_semaphore, #tpu.memory_space<semaphore_mem>>) src(%arg10 : memref<128x128xf32, #tpu.memory_space<vmem>>) dst(%dma_wait3A_156 : memref<10240x128xf32, #tpu.memory_space<vmem_shared>>)
        tpu.yield
      }) : () -> ()
      %add3A_118 = arith.constant 2 : i32
      %add3A_119 = arith.addi %add3A_111, %add3A_118 : i32
      %dma_start3A_120 = arith.constant 0 : i32
      %dma_start3A_121 = tpu.memref_slice %arg8[%add3A_119, %dma_start3A_120] : memref<40x128xi32, #tpu.memory_space<vmem>> -> memref<1x128xi32, #tpu.memory_space<vmem>>
      %dma_start3A_122 = tpu.memref_squeeze %dma_start3A_121 : memref<1x128xi32, #tpu.memory_space<vmem>> -> memref<128xi32, #tpu.memory_space<vmem>>
      %dma_start3A_123 = arith.constant 0 : i32
      %dma_start3A_124 = arith.constant 0 : i32
      %dma_start3A_125 = tpu.memref_slice %arg2[%dma_start3A_123, %dma_start3A_124] : memref<10000x128xf32, #tpu.memory_space<hbm>> -> memref<10000x128xf32, #tpu.memory_space<hbm>>
      tpu.enqueue_indirect_dma source(%dma_start3A_125 : memref<10000x128xf32, #tpu.memory_space<hbm>>) target(%arg10 : memref<128x128xf32, #tpu.memory_space<vmem>>) offsets(%dma_start3A_122 : memref<128xi32, #tpu.memory_space<vmem>>) semaphore(%arg13 : memref<!tpu.dma_semaphore, #tpu.memory_space<semaphore_mem>>)
      %mul3A_126 = arith.constant 2 : i32
      %mul3A_127 = arith.muli %mul3A_126, %scan3A_107 : i32
      %add3A_128 = arith.constant 1 : i32
      %add3A_129 = arith.addi %mul3A_127, %add3A_128 : i32
      %dma_wait3A_130 = arith.constant 0 : i32
      %dma_wait3A_131 = tpu.memref_slice %arg8[%add3A_129, %dma_wait3A_130] : memref<40x128xi32, #tpu.memory_space<vmem>> -> memref<1x128xi32, #tpu.memory_space<vmem>>
      %dma_wait3A_132 = tpu.memref_squeeze %dma_wait3A_131 : memref<1x128xi32, #tpu.memory_space<vmem>> -> memref<128xi32, #tpu.memory_space<vmem>>
      %dma_wait3A_133 = arith.constant 0 : i32
      %dma_wait3A_134 = arith.constant 0 : i32
      %dma_wait3A_135 = tpu.memref_slice %arg2[%dma_wait3A_133, %dma_wait3A_134] : memref<10000x128xf32, #tpu.memory_space<hbm>> -> memref<10000x128xf32, #tpu.memory_space<hbm>>
      tpu.wait_indirect_dma semaphore(%arg14 : memref<!tpu.dma_semaphore, #tpu.memory_space<semaphore_mem>>) src(%dma_wait3A_135 : memref<10000x128xf32, #tpu.memory_space<hbm>>) dst(%arg11 : memref<128x128xf32, #tpu.memory_space<vmem>>)
      "tpu.region"() ({
        %run_scoped3A_144 = tpu.sem_alloc : memref<!tpu.dma_semaphore, #tpu.memory_space<semaphore_mem>>
        %dma_start3A_145 = arith.constant 0 : i32
        %dma_start3A_146 = tpu.memref_slice %arg9[%add3A_129, %dma_start3A_145] : memref<40x128xi32, #tpu.memory_space<vmem>> -> memref<1x128xi32, #tpu.memory_space<vmem>>
        %dma_start3A_147 = tpu.memref_squeeze %dma_start3A_146 : memref<1x128xi32, #tpu.memory_space<vmem>> -> memref<128xi32, #tpu.memory_space<vmem>>
        %dma_start3A_148 = arith.constant 0 : i32
        %dma_start3A_149 = arith.constant 0 : i32
        %dma_start3A_150 = tpu.memref_slice %arg12[%dma_start3A_148, %dma_start3A_149] : memref<10240x128xf32, #tpu.memory_space<vmem_shared>> -> memref<10240x128xf32, #tpu.memory_space<vmem_shared>>
        tpu.enqueue_indirect_dma source(%arg11 : memref<128x128xf32, #tpu.memory_space<vmem>>) target(%dma_start3A_150 : memref<10240x128xf32, #tpu.memory_space<vmem_shared>>) offsets(%dma_start3A_147 : memref<128xi32, #tpu.memory_space<vmem>>) semaphore(%run_scoped3A_144 : memref<!tpu.dma_semaphore, #tpu.memory_space<semaphore_mem>>) {add = true}
        %dma_wait3A_151 = arith.constant 0 : i32
        %dma_wait3A_152 = tpu.memref_slice %arg9[%add3A_129, %dma_wait3A_151] : memref<40x128xi32, #tpu.memory_space<vmem>> -> memref<1x128xi32, #tpu.memory_space<vmem>>
        %dma_wait3A_153 = tpu.memref_squeeze %dma_wait3A_152 : memref<1x128xi32, #tpu.memory_space<vmem>> -> memref<128xi32, #tpu.memory_space<vmem>>
        %dma_wait3A_154 = arith.constant 0 : i32
        %dma_wait3A_155 = arith.constant 0 : i32
        %dma_wait3A_156 = tpu.memref_slice %arg12[%dma_wait3A_154, %dma_wait3A_155] : memref<10240x128xf32, #tpu.memory_space<vmem_shared>> -> memref<10240x128xf32, #tpu.memory_space<vmem_shared>>
        tpu.wait_indirect_dma semaphore(%run_scoped3A_144 : memref<!tpu.dma_semaphore, #tpu.memory_space<semaphore_mem>>) src(%arg11 : memref<128x128xf32, #tpu.memory_space<vmem>>) dst(%dma_wait3A_156 : memref<10240x128xf32, #tpu.memory_space<vmem_shared>>)
        tpu.yield
      }) : () -> ()
      %add3A_136 = arith.constant 2 : i32
      %add3A_137 = arith.addi %add3A_129, %add3A_136 : i32
      %dma_start3A_138 = arith.constant 0 : i32
      %dma_start3A_139 = tpu.memref_slice %arg8[%add3A_137, %dma_start3A_138] : memref<40x128xi32, #tpu.memory_space<vmem>> -> memref<1x128xi32, #tpu.memory_space<vmem>>
      %dma_start3A_140 = tpu.memref_squeeze %dma_start3A_139 : memref<1x128xi32, #tpu.memory_space<vmem>> -> memref<128xi32, #tpu.memory_space<vmem>>
      %dma_start3A_141 = arith.constant 0 : i32
      %dma_start3A_142 = arith.constant 0 : i32
      %dma_start3A_143 = tpu.memref_slice %arg2[%dma_start3A_141, %dma_start3A_142] : memref<10000x128xf32, #tpu.memory_space<hbm>> -> memref<10000x128xf32, #tpu.memory_space<hbm>>
      tpu.enqueue_indirect_dma source(%dma_start3A_143 : memref<10000x128xf32, #tpu.memory_space<hbm>>) target(%arg11 : memref<128x128xf32, #tpu.memory_space<vmem>>) offsets(%dma_start3A_140 : memref<128xi32, #tpu.memory_space<vmem>>) semaphore(%arg14 : memref<!tpu.dma_semaphore, #tpu.memory_space<semaphore_mem>>)
    }
    %scan3A_40 = arith.constant 19 : i32
    %dma_wait3A = arith.constant 38 : i32
    %dma_wait3A_41 = arith.constant 0 : i32
    %dma_wait3A_42 = tpu.memref_slice %arg8[%dma_wait3A, %dma_wait3A_41] : memref<40x128xi32, #tpu.memory_space<vmem>> -> memref<1x128xi32, #tpu.memory_space<vmem>>
    %dma_wait3A_43 = tpu.memref_squeeze %dma_wait3A_42 : memref<1x128xi32, #tpu.memory_space<vmem>> -> memref<128xi32, #tpu.memory_space<vmem>>
    %dma_wait3A_44 = arith.constant 0 : i32
    %dma_wait3A_45 = arith.constant 0 : i32
    %dma_wait3A_46 = tpu.memref_slice %arg2[%dma_wait3A_44, %dma_wait3A_45] : memref<10000x128xf32, #tpu.memory_space<hbm>> -> memref<10000x128xf32, #tpu.memory_space<hbm>>
    tpu.wait_indirect_dma semaphore(%arg13 : memref<!tpu.dma_semaphore, #tpu.memory_space<semaphore_mem>>) src(%dma_wait3A_46 : memref<10000x128xf32, #tpu.memory_space<hbm>>) dst(%arg10 : memref<128x128xf32, #tpu.memory_space<vmem>>)
    %run_scoped3A = arith.constant 38 : i32
    "tpu.region"() ({
      %run_scoped3A_107 = tpu.sem_alloc : memref<!tpu.dma_semaphore, #tpu.memory_space<semaphore_mem>>
      %dma_start3A_108 = arith.constant 0 : i32
      %dma_start3A_109 = tpu.memref_slice %arg9[%run_scoped3A, %dma_start3A_108] : memref<40x128xi32, #tpu.memory_space<vmem>> -> memref<1x128xi32, #tpu.memory_space<vmem>>
      %dma_start3A_110 = tpu.memref_squeeze %dma_start3A_109 : memref<1x128xi32, #tpu.memory_space<vmem>> -> memref<128xi32, #tpu.memory_space<vmem>>
      %dma_start3A_111 = arith.constant 0 : i32
      %dma_start3A_112 = arith.constant 0 : i32
      %dma_start3A_113 = tpu.memref_slice %arg12[%dma_start3A_111, %dma_start3A_112] : memref<10240x128xf32, #tpu.memory_space<vmem_shared>> -> memref<10240x128xf32, #tpu.memory_space<vmem_shared>>
      tpu.enqueue_indirect_dma source(%arg10 : memref<128x128xf32, #tpu.memory_space<vmem>>) target(%dma_start3A_113 : memref<10240x128xf32, #tpu.memory_space<vmem_shared>>) offsets(%dma_start3A_110 : memref<128xi32, #tpu.memory_space<vmem>>) semaphore(%run_scoped3A_107 : memref<!tpu.dma_semaphore, #tpu.memory_space<semaphore_mem>>) {add = true}
      %dma_wait3A_114 = arith.constant 0 : i32
      %dma_wait3A_115 = tpu.memref_slice %arg9[%run_scoped3A, %dma_wait3A_114] : memref<40x128xi32, #tpu.memory_space<vmem>> -> memref<1x128xi32, #tpu.memory_space<vmem>>
      %dma_wait3A_116 = tpu.memref_squeeze %dma_wait3A_115 : memref<1x128xi32, #tpu.memory_space<vmem>> -> memref<128xi32, #tpu.memory_space<vmem>>
      %dma_wait3A_117 = arith.constant 0 : i32
      %dma_wait3A_118 = arith.constant 0 : i32
      %dma_wait3A_119 = tpu.memref_slice %arg12[%dma_wait3A_117, %dma_wait3A_118] : memref<10240x128xf32, #tpu.memory_space<vmem_shared>> -> memref<10240x128xf32, #tpu.memory_space<vmem_shared>>
      tpu.wait_indirect_dma semaphore(%run_scoped3A_107 : memref<!tpu.dma_semaphore, #tpu.memory_space<semaphore_mem>>) src(%arg10 : memref<128x128xf32, #tpu.memory_space<vmem>>) dst(%dma_wait3A_119 : memref<10240x128xf32, #tpu.memory_space<vmem_shared>>)
      tpu.yield
    }) : () -> ()
    %dma_wait3A_47 = arith.constant 39 : i32
    %dma_wait3A_48 = arith.constant 0 : i32
    %dma_wait3A_49 = tpu.memref_slice %arg8[%dma_wait3A_47, %dma_wait3A_48] : memref<40x128xi32, #tpu.memory_space<vmem>> -> memref<1x128xi32, #tpu.memory_space<vmem>>
    %dma_wait3A_50 = tpu.memref_squeeze %dma_wait3A_49 : memref<1x128xi32, #tpu.memory_space<vmem>> -> memref<128xi32, #tpu.memory_space<vmem>>
    %dma_wait3A_51 = arith.constant 0 : i32
    %dma_wait3A_52 = arith.constant 0 : i32
    %dma_wait3A_53 = tpu.memref_slice %arg2[%dma_wait3A_51, %dma_wait3A_52] : memref<10000x128xf32, #tpu.memory_space<hbm>> -> memref<10000x128xf32, #tpu.memory_space<hbm>>
    tpu.wait_indirect_dma semaphore(%arg14 : memref<!tpu.dma_semaphore, #tpu.memory_space<semaphore_mem>>) src(%dma_wait3A_53 : memref<10000x128xf32, #tpu.memory_space<hbm>>) dst(%arg11 : memref<128x128xf32, #tpu.memory_space<vmem>>)
    %run_scoped3A_54 = arith.constant 39 : i32
    "tpu.region"() ({
      %run_scoped3A_107 = tpu.sem_alloc : memref<!tpu.dma_semaphore, #tpu.memory_space<semaphore_mem>>
      %dma_start3A_108 = arith.constant 0 : i32
      %dma_start3A_109 = tpu.memref_slice %arg9[%run_scoped3A_54, %dma_start3A_108] : memref<40x128xi32, #tpu.memory_space<vmem>> -> memref<1x128xi32, #tpu.memory_space<vmem>>
      %dma_start3A_110 = tpu.memref_squeeze %dma_start3A_109 : memref<1x128xi32, #tpu.memory_space<vmem>> -> memref<128xi32, #tpu.memory_space<vmem>>
      %dma_start3A_111 = arith.constant 0 : i32
      %dma_start3A_112 = arith.constant 0 : i32
      %dma_start3A_113 = tpu.memref_slice %arg12[%dma_start3A_111, %dma_start3A_112] : memref<10240x128xf32, #tpu.memory_space<vmem_shared>> -> memref<10240x128xf32, #tpu.memory_space<vmem_shared>>
      tpu.enqueue_indirect_dma source(%arg11 : memref<128x128xf32, #tpu.memory_space<vmem>>) target(%dma_start3A_113 : memref<10240x128xf32, #tpu.memory_space<vmem_shared>>) offsets(%dma_start3A_110 : memref<128xi32, #tpu.memory_space<vmem>>) semaphore(%run_scoped3A_107 : memref<!tpu.dma_semaphore, #tpu.memory_space<semaphore_mem>>) {add = true}
      %dma_wait3A_114 = arith.constant 0 : i32
      %dma_wait3A_115 = tpu.memref_slice %arg9[%run_scoped3A_54, %dma_wait3A_114] : memref<40x128xi32, #tpu.memory_space<vmem>> -> memref<1x128xi32, #tpu.memory_space<vmem>>
      %dma_wait3A_116 = tpu.memref_squeeze %dma_wait3A_115 : memref<1x128xi32, #tpu.memory_space<vmem>> -> memref<128xi32, #tpu.memory_space<vmem>>
      %dma_wait3A_117 = arith.constant 0 : i32
      %dma_wait3A_118 = arith.constant 0 : i32
      %dma_wait3A_119 = tpu.memref_slice %arg12[%dma_wait3A_117, %dma_wait3A_118] : memref<10240x128xf32, #tpu.memory_space<vmem_shared>> -> memref<10240x128xf32, #tpu.memory_space<vmem_shared>>
      tpu.wait_indirect_dma semaphore(%run_scoped3A_107 : memref<!tpu.dma_semaphore, #tpu.memory_space<semaphore_mem>>) src(%arg11 : memref<128x128xf32, #tpu.memory_space<vmem>>) dst(%dma_wait3A_119 : memref<10240x128xf32, #tpu.memory_space<vmem_shared>>)
      tpu.yield
    }) : () -> ()
    %mul3A_55 = arith.constant 80 : i32
    %mul3A_56 = arith.muli %add3A, %mul3A_55 : i32
    %add3A_57 = arith.constant 40 : i32
    %add3A_58 = arith.addi %mul3A_56, %add3A_57 : i32
    %multiple_of3A_59 = tpu.assume_multiple %add3A_58, 8 : i32
    %lt3A_60 = arith.constant 31 : i32
    %lt3A_61 = arith.cmpi slt, %add3A, %lt3A_60 : i32
    %convert_element_type3A_62 = arith.extui %lt3A_61 : i1 to i32
    %cond3A_63 = arith.constant 0 : i32
    %cond3A_64 = arith.cmpi ne, %convert_element_type3A_62, %cond3A_63 : i32
    scf.if %cond3A_64 {
      %run_scoped3A_107 = arith.constant 0 : i32
      "tpu.region"() ({
        %run_scoped3A_109 = tpu.sem_alloc : memref<!tpu.dma_semaphore, #tpu.memory_space<semaphore_mem>>
        %dma_start3A_110 = arith.constant 0 : i32
        %dma_start3A_111 = tpu.memref_slice %arg3[%run_scoped3A_107, %multiple_of3A_59, %dma_start3A_110] : memref<2x2500x128xi32, #tpu.memory_space<hbm>> -> memref<1x40x128xi32, #tpu.memory_space<hbm>>
        %dma_start3A_112 = tpu.memref_squeeze %dma_start3A_111 : memref<1x40x128xi32, #tpu.memory_space<hbm>> -> memref<40x128xi32, #tpu.memory_space<hbm>>
        %dma_start3A_113 = arith.constant 0 : i32
        %dma_start3A_114 = tpu.memref_slice %arg3[%run_scoped3A_107, %multiple_of3A_59, %dma_start3A_113] : memref<2x2500x128xi32, #tpu.memory_space<hbm>> -> memref<1x40x128xi32, #tpu.memory_space<hbm>>
        %dma_start3A_115 = tpu.memref_squeeze %dma_start3A_114 : memref<1x40x128xi32, #tpu.memory_space<hbm>> -> memref<40x128xi32, #tpu.memory_space<hbm>>
        tpu.enqueue_dma source(%dma_start3A_115 : memref<40x128xi32, #tpu.memory_space<hbm>>) target(%arg8 : memref<40x128xi32, #tpu.memory_space<vmem>>) target_semaphore(%run_scoped3A_109 : memref<!tpu.dma_semaphore, #tpu.memory_space<semaphore_mem>>)
        %dma_wait3A_116 = arith.constant 0 : i32
        %dma_wait3A_117 = tpu.memref_slice %arg3[%run_scoped3A_107, %multiple_of3A_59, %dma_wait3A_116] : memref<2x2500x128xi32, #tpu.memory_space<hbm>> -> memref<1x40x128xi32, #tpu.memory_space<hbm>>
        %dma_wait3A_118 = tpu.memref_squeeze %dma_wait3A_117 : memref<1x40x128xi32, #tpu.memory_space<hbm>> -> memref<40x128xi32, #tpu.memory_space<hbm>>
        %dma_wait3A_119 = arith.constant 0 : i32
        %dma_wait3A_120 = tpu.memref_slice %arg3[%run_scoped3A_107, %multiple_of3A_59, %dma_wait3A_119] : memref<2x2500x128xi32, #tpu.memory_space<hbm>> -> memref<1x40x128xi32, #tpu.memory_space<hbm>>
        %dma_wait3A_121 = tpu.memref_squeeze %dma_wait3A_120 : memref<1x40x128xi32, #tpu.memory_space<hbm>> -> memref<40x128xi32, #tpu.memory_space<hbm>>
        tpu.wait_dma2 semaphore(%run_scoped3A_109 : memref<!tpu.dma_semaphore, #tpu.memory_space<semaphore_mem>>) src(%dma_wait3A_121 : memref<40x128xi32, #tpu.memory_space<hbm>>) dst(%arg8 : memref<40x128xi32, #tpu.memory_space<vmem>>)
        tpu.yield
      }) : () -> ()
      %run_scoped3A_108 = arith.constant 1 : i32
      "tpu.region"() ({
        %run_scoped3A_109 = tpu.sem_alloc : memref<!tpu.dma_semaphore, #tpu.memory_space<semaphore_mem>>
        %dma_start3A_110 = arith.constant 0 : i32
        %dma_start3A_111 = tpu.memref_slice %arg3[%run_scoped3A_108, %multiple_of3A_59, %dma_start3A_110] : memref<2x2500x128xi32, #tpu.memory_space<hbm>> -> memref<1x40x128xi32, #tpu.memory_space<hbm>>
        %dma_start3A_112 = tpu.memref_squeeze %dma_start3A_111 : memref<1x40x128xi32, #tpu.memory_space<hbm>> -> memref<40x128xi32, #tpu.memory_space<hbm>>
        %dma_start3A_113 = arith.constant 0 : i32
        %dma_start3A_114 = tpu.memref_slice %arg3[%run_scoped3A_108, %multiple_of3A_59, %dma_start3A_113] : memref<2x2500x128xi32, #tpu.memory_space<hbm>> -> memref<1x40x128xi32, #tpu.memory_space<hbm>>
        %dma_start3A_115 = tpu.memref_squeeze %dma_start3A_114 : memref<1x40x128xi32, #tpu.memory_space<hbm>> -> memref<40x128xi32, #tpu.memory_space<hbm>>
        tpu.enqueue_dma source(%dma_start3A_115 : memref<40x128xi32, #tpu.memory_space<hbm>>) target(%arg9 : memref<40x128xi32, #tpu.memory_space<vmem>>) target_semaphore(%run_scoped3A_109 : memref<!tpu.dma_semaphore, #tpu.memory_space<semaphore_mem>>)
        %dma_wait3A_116 = arith.constant 0 : i32
        %dma_wait3A_117 = tpu.memref_slice %arg3[%run_scoped3A_108, %multiple_of3A_59, %dma_wait3A_116] : memref<2x2500x128xi32, #tpu.memory_space<hbm>> -> memref<1x40x128xi32, #tpu.memory_space<hbm>>
        %dma_wait3A_118 = tpu.memref_squeeze %dma_wait3A_117 : memref<1x40x128xi32, #tpu.memory_space<hbm>> -> memref<40x128xi32, #tpu.memory_space<hbm>>
        %dma_wait3A_119 = arith.constant 0 : i32
        %dma_wait3A_120 = tpu.memref_slice %arg3[%run_scoped3A_108, %multiple_of3A_59, %dma_wait3A_119] : memref<2x2500x128xi32, #tpu.memory_space<hbm>> -> memref<1x40x128xi32, #tpu.memory_space<hbm>>
        %dma_wait3A_121 = tpu.memref_squeeze %dma_wait3A_120 : memref<1x40x128xi32, #tpu.memory_space<hbm>> -> memref<40x128xi32, #tpu.memory_space<hbm>>
        tpu.wait_dma2 semaphore(%run_scoped3A_109 : memref<!tpu.dma_semaphore, #tpu.memory_space<semaphore_mem>>) src(%dma_wait3A_121 : memref<40x128xi32, #tpu.memory_space<hbm>>) dst(%arg9 : memref<40x128xi32, #tpu.memory_space<vmem>>)
        tpu.yield
      }) : () -> ()
    } else {
    }
    %ge3A_65 = arith.constant 31 : i32
    %ge3A_66 = arith.cmpi sge, %add3A, %ge3A_65 : i32
    %convert_element_type3A_67 = arith.extui %ge3A_66 : i1 to i32
    %cond3A_68 = arith.constant 0 : i32
    %cond3A_69 = arith.cmpi ne, %convert_element_type3A_67, %cond3A_68 : i32
    scf.if %cond3A_69 {
      %sub3A = arith.constant 2480 : i32
      %sub3A_107 = arith.subi %multiple_of3A_59, %sub3A : i32
      %multiple_of3A_108 = tpu.assume_multiple %sub3A_107, 8 : i32
      "tpu.region"() ({
        %run_scoped3A_109 = tpu.sem_alloc : memref<!tpu.dma_semaphore, #tpu.memory_space<semaphore_mem>>
        %dma_start3A_110 = arith.constant 0 : i32
        %dma_start3A_111 = tpu.memref_slice %arg4[%multiple_of3A_108, %dma_start3A_110] : memref<80x128xi32, #tpu.memory_space<hbm>> -> memref<40x128xi32, #tpu.memory_space<hbm>>
        %dma_start3A_112 = arith.constant 0 : i32
        %dma_start3A_113 = tpu.memref_slice %arg4[%multiple_of3A_108, %dma_start3A_112] : memref<80x128xi32, #tpu.memory_space<hbm>> -> memref<40x128xi32, #tpu.memory_space<hbm>>
        tpu.enqueue_dma source(%dma_start3A_113 : memref<40x128xi32, #tpu.memory_space<hbm>>) target(%arg8 : memref<40x128xi32, #tpu.memory_space<vmem>>) target_semaphore(%run_scoped3A_109 : memref<!tpu.dma_semaphore, #tpu.memory_space<semaphore_mem>>)
        %dma_wait3A_114 = arith.constant 0 : i32
        %dma_wait3A_115 = tpu.memref_slice %arg4[%multiple_of3A_108, %dma_wait3A_114] : memref<80x128xi32, #tpu.memory_space<hbm>> -> memref<40x128xi32, #tpu.memory_space<hbm>>
        %dma_wait3A_116 = arith.constant 0 : i32
        %dma_wait3A_117 = tpu.memref_slice %arg4[%multiple_of3A_108, %dma_wait3A_116] : memref<80x128xi32, #tpu.memory_space<hbm>> -> memref<40x128xi32, #tpu.memory_space<hbm>>
        tpu.wait_dma2 semaphore(%run_scoped3A_109 : memref<!tpu.dma_semaphore, #tpu.memory_space<semaphore_mem>>) src(%dma_wait3A_117 : memref<40x128xi32, #tpu.memory_space<hbm>>) dst(%arg8 : memref<40x128xi32, #tpu.memory_space<vmem>>)
        tpu.yield
      }) : () -> ()
      "tpu.region"() ({
        %run_scoped3A_109 = tpu.sem_alloc : memref<!tpu.dma_semaphore, #tpu.memory_space<semaphore_mem>>
        %dma_start3A_110 = arith.constant 0 : i32
        %dma_start3A_111 = tpu.memref_slice %arg5[%multiple_of3A_108, %dma_start3A_110] : memref<80x128xi32, #tpu.memory_space<hbm>> -> memref<40x128xi32, #tpu.memory_space<hbm>>
        %dma_start3A_112 = arith.constant 0 : i32
        %dma_start3A_113 = tpu.memref_slice %arg5[%multiple_of3A_108, %dma_start3A_112] : memref<80x128xi32, #tpu.memory_space<hbm>> -> memref<40x128xi32, #tpu.memory_space<hbm>>
        tpu.enqueue_dma source(%dma_start3A_113 : memref<40x128xi32, #tpu.memory_space<hbm>>) target(%arg9 : memref<40x128xi32, #tpu.memory_space<vmem>>) target_semaphore(%run_scoped3A_109 : memref<!tpu.dma_semaphore, #tpu.memory_space<semaphore_mem>>)
        %dma_wait3A_114 = arith.constant 0 : i32
        %dma_wait3A_115 = tpu.memref_slice %arg5[%multiple_of3A_108, %dma_wait3A_114] : memref<80x128xi32, #tpu.memory_space<hbm>> -> memref<40x128xi32, #tpu.memory_space<hbm>>
        %dma_wait3A_116 = arith.constant 0 : i32
        %dma_wait3A_117 = tpu.memref_slice %arg5[%multiple_of3A_108, %dma_wait3A_116] : memref<80x128xi32, #tpu.memory_space<hbm>> -> memref<40x128xi32, #tpu.memory_space<hbm>>
        tpu.wait_dma2 semaphore(%run_scoped3A_109 : memref<!tpu.dma_semaphore, #tpu.memory_space<semaphore_mem>>) src(%dma_wait3A_117 : memref<40x128xi32, #tpu.memory_space<hbm>>) dst(%arg9 : memref<40x128xi32, #tpu.memory_space<vmem>>)
        tpu.yield
      }) : () -> ()
    } else {
    }
    %dma_start3A_70 = arith.constant 0 : i32
    %dma_start3A_71 = arith.constant 0 : i32
    %dma_start3A_72 = tpu.memref_slice %arg8[%dma_start3A_70, %dma_start3A_71] : memref<40x128xi32, #tpu.memory_space<vmem>> -> memref<1x128xi32, #tpu.memory_space<vmem>>
    %dma_start3A_73 = tpu.memref_squeeze %dma_start3A_72 : memref<1x128xi32, #tpu.memory_space<vmem>> -> memref<128xi32, #tpu.memory_space<vmem>>
    %dma_start3A_74 = arith.constant 0 : i32
    %dma_start3A_75 = arith.constant 0 : i32
    %dma_start3A_76 = tpu.memref_slice %arg2[%dma_start3A_74, %dma_start3A_75] : memref<10000x128xf32, #tpu.memory_space<hbm>> -> memref<10000x128xf32, #tpu.memory_space<hbm>>
    tpu.enqueue_indirect_dma source(%dma_start3A_76 : memref<10000x128xf32, #tpu.memory_space<hbm>>) target(%arg10 : memref<128x128xf32, #tpu.memory_space<vmem>>) offsets(%dma_start3A_73 : memref<128xi32, #tpu.memory_space<vmem>>) semaphore(%arg13 : memref<!tpu.dma_semaphore, #tpu.memory_space<semaphore_mem>>)
    %dma_start3A_77 = arith.constant 1 : i32
    %dma_start3A_78 = arith.constant 0 : i32
    %dma_start3A_79 = tpu.memref_slice %arg8[%dma_start3A_77, %dma_start3A_78] : memref<40x128xi32, #tpu.memory_space<vmem>> -> memref<1x128xi32, #tpu.memory_space<vmem>>
    %dma_start3A_80 = tpu.memref_squeeze %dma_start3A_79 : memref<1x128xi32, #tpu.memory_space<vmem>> -> memref<128xi32, #tpu.memory_space<vmem>>
    %dma_start3A_81 = arith.constant 0 : i32
    %dma_start3A_82 = arith.constant 0 : i32
    %dma_start3A_83 = tpu.memref_slice %arg2[%dma_start3A_81, %dma_start3A_82] : memref<10000x128xf32, #tpu.memory_space<hbm>> -> memref<10000x128xf32, #tpu.memory_space<hbm>>
    tpu.enqueue_indirect_dma source(%dma_start3A_83 : memref<10000x128xf32, #tpu.memory_space<hbm>>) target(%arg11 : memref<128x128xf32, #tpu.memory_space<vmem>>) offsets(%dma_start3A_80 : memref<128xi32, #tpu.memory_space<vmem>>) semaphore(%arg14 : memref<!tpu.dma_semaphore, #tpu.memory_space<semaphore_mem>>)
    %scan3A_84 = arith.constant 0 : i32
    %scan3A_85 = arith.constant 0 : i32
    %scan3A_86 = arith.constant 19 : i32
    %scan3A_87 = arith.addi %scan3A_85, %scan3A_86 : i32
    %scan3A_88 = arith.constant 1 : i32
    scf.for %scan3A_107 = %scan3A_85 to %scan3A_87 step %scan3A_88  : i32 {
      %mul3A_108 = arith.constant 2 : i32
      %mul3A_109 = arith.muli %mul3A_108, %scan3A_107 : i32
      %add3A_110 = arith.constant 0 : i32
      %add3A_111 = arith.addi %mul3A_109, %add3A_110 : i32
      %dma_wait3A_112 = arith.constant 0 : i32
      %dma_wait3A_113 = tpu.memref_slice %arg8[%add3A_111, %dma_wait3A_112] : memref<40x128xi32, #tpu.memory_space<vmem>> -> memref<1x128xi32, #tpu.memory_space<vmem>>
      %dma_wait3A_114 = tpu.memref_squeeze %dma_wait3A_113 : memref<1x128xi32, #tpu.memory_space<vmem>> -> memref<128xi32, #tpu.memory_space<vmem>>
      %dma_wait3A_115 = arith.constant 0 : i32
      %dma_wait3A_116 = arith.constant 0 : i32
      %dma_wait3A_117 = tpu.memref_slice %arg2[%dma_wait3A_115, %dma_wait3A_116] : memref<10000x128xf32, #tpu.memory_space<hbm>> -> memref<10000x128xf32, #tpu.memory_space<hbm>>
      tpu.wait_indirect_dma semaphore(%arg13 : memref<!tpu.dma_semaphore, #tpu.memory_space<semaphore_mem>>) src(%dma_wait3A_117 : memref<10000x128xf32, #tpu.memory_space<hbm>>) dst(%arg10 : memref<128x128xf32, #tpu.memory_space<vmem>>)
      "tpu.region"() ({
        %run_scoped3A_144 = tpu.sem_alloc : memref<!tpu.dma_semaphore, #tpu.memory_space<semaphore_mem>>
        %dma_start3A_145 = arith.constant 0 : i32
        %dma_start3A_146 = tpu.memref_slice %arg9[%add3A_111, %dma_start3A_145] : memref<40x128xi32, #tpu.memory_space<vmem>> -> memref<1x128xi32, #tpu.memory_space<vmem>>
        %dma_start3A_147 = tpu.memref_squeeze %dma_start3A_146 : memref<1x128xi32, #tpu.memory_space<vmem>> -> memref<128xi32, #tpu.memory_space<vmem>>
        %dma_start3A_148 = arith.constant 0 : i32
        %dma_start3A_149 = arith.constant 0 : i32
        %dma_start3A_150 = tpu.memref_slice %arg12[%dma_start3A_148, %dma_start3A_149] : memref<10240x128xf32, #tpu.memory_space<vmem_shared>> -> memref<10240x128xf32, #tpu.memory_space<vmem_shared>>
        tpu.enqueue_indirect_dma source(%arg10 : memref<128x128xf32, #tpu.memory_space<vmem>>) target(%dma_start3A_150 : memref<10240x128xf32, #tpu.memory_space<vmem_shared>>) offsets(%dma_start3A_147 : memref<128xi32, #tpu.memory_space<vmem>>) semaphore(%run_scoped3A_144 : memref<!tpu.dma_semaphore, #tpu.memory_space<semaphore_mem>>) {add = true}
        %dma_wait3A_151 = arith.constant 0 : i32
        %dma_wait3A_152 = tpu.memref_slice %arg9[%add3A_111, %dma_wait3A_151] : memref<40x128xi32, #tpu.memory_space<vmem>> -> memref<1x128xi32, #tpu.memory_space<vmem>>
        %dma_wait3A_153 = tpu.memref_squeeze %dma_wait3A_152 : memref<1x128xi32, #tpu.memory_space<vmem>> -> memref<128xi32, #tpu.memory_space<vmem>>
        %dma_wait3A_154 = arith.constant 0 : i32
        %dma_wait3A_155 = arith.constant 0 : i32
        %dma_wait3A_156 = tpu.memref_slice %arg12[%dma_wait3A_154, %dma_wait3A_155] : memref<10240x128xf32, #tpu.memory_space<vmem_shared>> -> memref<10240x128xf32, #tpu.memory_space<vmem_shared>>
        tpu.wait_indirect_dma semaphore(%run_scoped3A_144 : memref<!tpu.dma_semaphore, #tpu.memory_space<semaphore_mem>>) src(%arg10 : memref<128x128xf32, #tpu.memory_space<vmem>>) dst(%dma_wait3A_156 : memref<10240x128xf32, #tpu.memory_space<vmem_shared>>)
        tpu.yield
      }) : () -> ()
      %add3A_118 = arith.constant 2 : i32
      %add3A_119 = arith.addi %add3A_111, %add3A_118 : i32
      %dma_start3A_120 = arith.constant 0 : i32
      %dma_start3A_121 = tpu.memref_slice %arg8[%add3A_119, %dma_start3A_120] : memref<40x128xi32, #tpu.memory_space<vmem>> -> memref<1x128xi32, #tpu.memory_space<vmem>>
      %dma_start3A_122 = tpu.memref_squeeze %dma_start3A_121 : memref<1x128xi32, #tpu.memory_space<vmem>> -> memref<128xi32, #tpu.memory_space<vmem>>
      %dma_start3A_123 = arith.constant 0 : i32
      %dma_start3A_124 = arith.constant 0 : i32
      %dma_start3A_125 = tpu.memref_slice %arg2[%dma_start3A_123, %dma_start3A_124] : memref<10000x128xf32, #tpu.memory_space<hbm>> -> memref<10000x128xf32, #tpu.memory_space<hbm>>
      tpu.enqueue_indirect_dma source(%dma_start3A_125 : memref<10000x128xf32, #tpu.memory_space<hbm>>) target(%arg10 : memref<128x128xf32, #tpu.memory_space<vmem>>) offsets(%dma_start3A_122 : memref<128xi32, #tpu.memory_space<vmem>>) semaphore(%arg13 : memref<!tpu.dma_semaphore, #tpu.memory_space<semaphore_mem>>)
      %mul3A_126 = arith.constant 2 : i32
      %mul3A_127 = arith.muli %mul3A_126, %scan3A_107 : i32
      %add3A_128 = arith.constant 1 : i32
      %add3A_129 = arith.addi %mul3A_127, %add3A_128 : i32
      %dma_wait3A_130 = arith.constant 0 : i32
      %dma_wait3A_131 = tpu.memref_slice %arg8[%add3A_129, %dma_wait3A_130] : memref<40x128xi32, #tpu.memory_space<vmem>> -> memref<1x128xi32, #tpu.memory_space<vmem>>
      %dma_wait3A_132 = tpu.memref_squeeze %dma_wait3A_131 : memref<1x128xi32, #tpu.memory_space<vmem>> -> memref<128xi32, #tpu.memory_space<vmem>>
      %dma_wait3A_133 = arith.constant 0 : i32
      %dma_wait3A_134 = arith.constant 0 : i32
      %dma_wait3A_135 = tpu.memref_slice %arg2[%dma_wait3A_133, %dma_wait3A_134] : memref<10000x128xf32, #tpu.memory_space<hbm>> -> memref<10000x128xf32, #tpu.memory_space<hbm>>
      tpu.wait_indirect_dma semaphore(%arg14 : memref<!tpu.dma_semaphore, #tpu.memory_space<semaphore_mem>>) src(%dma_wait3A_135 : memref<10000x128xf32, #tpu.memory_space<hbm>>) dst(%arg11 : memref<128x128xf32, #tpu.memory_space<vmem>>)
      "tpu.region"() ({
        %run_scoped3A_144 = tpu.sem_alloc : memref<!tpu.dma_semaphore, #tpu.memory_space<semaphore_mem>>
        %dma_start3A_145 = arith.constant 0 : i32
        %dma_start3A_146 = tpu.memref_slice %arg9[%add3A_129, %dma_start3A_145] : memref<40x128xi32, #tpu.memory_space<vmem>> -> memref<1x128xi32, #tpu.memory_space<vmem>>
        %dma_start3A_147 = tpu.memref_squeeze %dma_start3A_146 : memref<1x128xi32, #tpu.memory_space<vmem>> -> memref<128xi32, #tpu.memory_space<vmem>>
        %dma_start3A_148 = arith.constant 0 : i32
        %dma_start3A_149 = arith.constant 0 : i32
        %dma_start3A_150 = tpu.memref_slice %arg12[%dma_start3A_148, %dma_start3A_149] : memref<10240x128xf32, #tpu.memory_space<vmem_shared>> -> memref<10240x128xf32, #tpu.memory_space<vmem_shared>>
        tpu.enqueue_indirect_dma source(%arg11 : memref<128x128xf32, #tpu.memory_space<vmem>>) target(%dma_start3A_150 : memref<10240x128xf32, #tpu.memory_space<vmem_shared>>) offsets(%dma_start3A_147 : memref<128xi32, #tpu.memory_space<vmem>>) semaphore(%run_scoped3A_144 : memref<!tpu.dma_semaphore, #tpu.memory_space<semaphore_mem>>) {add = true}
        %dma_wait3A_151 = arith.constant 0 : i32
        %dma_wait3A_152 = tpu.memref_slice %arg9[%add3A_129, %dma_wait3A_151] : memref<40x128xi32, #tpu.memory_space<vmem>> -> memref<1x128xi32, #tpu.memory_space<vmem>>
        %dma_wait3A_153 = tpu.memref_squeeze %dma_wait3A_152 : memref<1x128xi32, #tpu.memory_space<vmem>> -> memref<128xi32, #tpu.memory_space<vmem>>
        %dma_wait3A_154 = arith.constant 0 : i32
        %dma_wait3A_155 = arith.constant 0 : i32
        %dma_wait3A_156 = tpu.memref_slice %arg12[%dma_wait3A_154, %dma_wait3A_155] : memref<10240x128xf32, #tpu.memory_space<vmem_shared>> -> memref<10240x128xf32, #tpu.memory_space<vmem_shared>>
        tpu.wait_indirect_dma semaphore(%run_scoped3A_144 : memref<!tpu.dma_semaphore, #tpu.memory_space<semaphore_mem>>) src(%arg11 : memref<128x128xf32, #tpu.memory_space<vmem>>) dst(%dma_wait3A_156 : memref<10240x128xf32, #tpu.memory_space<vmem_shared>>)
        tpu.yield
      }) : () -> ()
      %add3A_136 = arith.constant 2 : i32
      %add3A_137 = arith.addi %add3A_129, %add3A_136 : i32
      %dma_start3A_138 = arith.constant 0 : i32
      %dma_start3A_139 = tpu.memref_slice %arg8[%add3A_137, %dma_start3A_138] : memref<40x128xi32, #tpu.memory_space<vmem>> -> memref<1x128xi32, #tpu.memory_space<vmem>>
      %dma_start3A_140 = tpu.memref_squeeze %dma_start3A_139 : memref<1x128xi32, #tpu.memory_space<vmem>> -> memref<128xi32, #tpu.memory_space<vmem>>
      %dma_start3A_141 = arith.constant 0 : i32
      %dma_start3A_142 = arith.constant 0 : i32
      %dma_start3A_143 = tpu.memref_slice %arg2[%dma_start3A_141, %dma_start3A_142] : memref<10000x128xf32, #tpu.memory_space<hbm>> -> memref<10000x128xf32, #tpu.memory_space<hbm>>
      tpu.enqueue_indirect_dma source(%dma_start3A_143 : memref<10000x128xf32, #tpu.memory_space<hbm>>) target(%arg11 : memref<128x128xf32, #tpu.memory_space<vmem>>) offsets(%dma_start3A_140 : memref<128xi32, #tpu.memory_space<vmem>>) semaphore(%arg14 : memref<!tpu.dma_semaphore, #tpu.memory_space<semaphore_mem>>)
    }
    %scan3A_89 = arith.constant 19 : i32
    %dma_wait3A_90 = arith.constant 38 : i32
    %dma_wait3A_91 = arith.constant 0 : i32
    %dma_wait3A_92 = tpu.memref_slice %arg8[%dma_wait3A_90, %dma_wait3A_91] : memref<40x128xi32, #tpu.memory_space<vmem>> -> memref<1x128xi32, #tpu.memory_space<vmem>>
    %dma_wait3A_93 = tpu.memref_squeeze %dma_wait3A_92 : memref<1x128xi32, #tpu.memory_space<vmem>> -> memref<128xi32, #tpu.memory_space<vmem>>
    %dma_wait3A_94 = arith.constant 0 : i32
    %dma_wait3A_95 = arith.constant 0 : i32
    %dma_wait3A_96 = tpu.memref_slice %arg2[%dma_wait3A_94, %dma_wait3A_95] : memref<10000x128xf32, #tpu.memory_space<hbm>> -> memref<10000x128xf32, #tpu.memory_space<hbm>>
    tpu.wait_indirect_dma semaphore(%arg13 : memref<!tpu.dma_semaphore, #tpu.memory_space<semaphore_mem>>) src(%dma_wait3A_96 : memref<10000x128xf32, #tpu.memory_space<hbm>>) dst(%arg10 : memref<128x128xf32, #tpu.memory_space<vmem>>)
    %run_scoped3A_97 = arith.constant 38 : i32
    "tpu.region"() ({
      %run_scoped3A_107 = tpu.sem_alloc : memref<!tpu.dma_semaphore, #tpu.memory_space<semaphore_mem>>
      %dma_start3A_108 = arith.constant 0 : i32
      %dma_start3A_109 = tpu.memref_slice %arg9[%run_scoped3A_97, %dma_start3A_108] : memref<40x128xi32, #tpu.memory_space<vmem>> -> memref<1x128xi32, #tpu.memory_space<vmem>>
      %dma_start3A_110 = tpu.memref_squeeze %dma_start3A_109 : memref<1x128xi32, #tpu.memory_space<vmem>> -> memref<128xi32, #tpu.memory_space<vmem>>
      %dma_start3A_111 = arith.constant 0 : i32
      %dma_start3A_112 = arith.constant 0 : i32
      %dma_start3A_113 = tpu.memref_slice %arg12[%dma_start3A_111, %dma_start3A_112] : memref<10240x128xf32, #tpu.memory_space<vmem_shared>> -> memref<10240x128xf32, #tpu.memory_space<vmem_shared>>
      tpu.enqueue_indirect_dma source(%arg10 : memref<128x128xf32, #tpu.memory_space<vmem>>) target(%dma_start3A_113 : memref<10240x128xf32, #tpu.memory_space<vmem_shared>>) offsets(%dma_start3A_110 : memref<128xi32, #tpu.memory_space<vmem>>) semaphore(%run_scoped3A_107 : memref<!tpu.dma_semaphore, #tpu.memory_space<semaphore_mem>>) {add = true}
      %dma_wait3A_114 = arith.constant 0 : i32
      %dma_wait3A_115 = tpu.memref_slice %arg9[%run_scoped3A_97, %dma_wait3A_114] : memref<40x128xi32, #tpu.memory_space<vmem>> -> memref<1x128xi32, #tpu.memory_space<vmem>>
      %dma_wait3A_116 = tpu.memref_squeeze %dma_wait3A_115 : memref<1x128xi32, #tpu.memory_space<vmem>> -> memref<128xi32, #tpu.memory_space<vmem>>
      %dma_wait3A_117 = arith.constant 0 : i32
      %dma_wait3A_118 = arith.constant 0 : i32
      %dma_wait3A_119 = tpu.memref_slice %arg12[%dma_wait3A_117, %dma_wait3A_118] : memref<10240x128xf32, #tpu.memory_space<vmem_shared>> -> memref<10240x128xf32, #tpu.memory_space<vmem_shared>>
      tpu.wait_indirect_dma semaphore(%run_scoped3A_107 : memref<!tpu.dma_semaphore, #tpu.memory_space<semaphore_mem>>) src(%arg10 : memref<128x128xf32, #tpu.memory_space<vmem>>) dst(%dma_wait3A_119 : memref<10240x128xf32, #tpu.memory_space<vmem_shared>>)
      tpu.yield
    }) : () -> ()
    %dma_wait3A_98 = arith.constant 39 : i32
    %dma_wait3A_99 = arith.constant 0 : i32
    %dma_wait3A_100 = tpu.memref_slice %arg8[%dma_wait3A_98, %dma_wait3A_99] : memref<40x128xi32, #tpu.memory_space<vmem>> -> memref<1x128xi32, #tpu.memory_space<vmem>>
    %dma_wait3A_101 = tpu.memref_squeeze %dma_wait3A_100 : memref<1x128xi32, #tpu.memory_space<vmem>> -> memref<128xi32, #tpu.memory_space<vmem>>
    %dma_wait3A_102 = arith.constant 0 : i32
    %dma_wait3A_103 = arith.constant 0 : i32
    %dma_wait3A_104 = tpu.memref_slice %arg2[%dma_wait3A_102, %dma_wait3A_103] : memref<10000x128xf32, #tpu.memory_space<hbm>> -> memref<10000x128xf32, #tpu.memory_space<hbm>>
    tpu.wait_indirect_dma semaphore(%arg14 : memref<!tpu.dma_semaphore, #tpu.memory_space<semaphore_mem>>) src(%dma_wait3A_104 : memref<10000x128xf32, #tpu.memory_space<hbm>>) dst(%arg11 : memref<128x128xf32, #tpu.memory_space<vmem>>)
    %run_scoped3A_105 = arith.constant 39 : i32
    "tpu.region"() ({
      %run_scoped3A_107 = tpu.sem_alloc : memref<!tpu.dma_semaphore, #tpu.memory_space<semaphore_mem>>
      %dma_start3A_108 = arith.constant 0 : i32
      %dma_start3A_109 = tpu.memref_slice %arg9[%run_scoped3A_105, %dma_start3A_108] : memref<40x128xi32, #tpu.memory_space<vmem>> -> memref<1x128xi32, #tpu.memory_space<vmem>>
      %dma_start3A_110 = tpu.memref_squeeze %dma_start3A_109 : memref<1x128xi32, #tpu.memory_space<vmem>> -> memref<128xi32, #tpu.memory_space<vmem>>
      %dma_start3A_111 = arith.constant 0 : i32
      %dma_start3A_112 = arith.constant 0 : i32
      %dma_start3A_113 = tpu.memref_slice %arg12[%dma_start3A_111, %dma_start3A_112] : memref<10240x128xf32, #tpu.memory_space<vmem_shared>> -> memref<10240x128xf32, #tpu.memory_space<vmem_shared>>
      tpu.enqueue_indirect_dma source(%arg11 : memref<128x128xf32, #tpu.memory_space<vmem>>) target(%dma_start3A_113 : memref<10240x128xf32, #tpu.memory_space<vmem_shared>>) offsets(%dma_start3A_110 : memref<128xi32, #tpu.memory_space<vmem>>) semaphore(%run_scoped3A_107 : memref<!tpu.dma_semaphore, #tpu.memory_space<semaphore_mem>>) {add = true}
      %dma_wait3A_114 = arith.constant 0 : i32
      %dma_wait3A_115 = tpu.memref_slice %arg9[%run_scoped3A_105, %dma_wait3A_114] : memref<40x128xi32, #tpu.memory_space<vmem>> -> memref<1x128xi32, #tpu.memory_space<vmem>>
      %dma_wait3A_116 = tpu.memref_squeeze %dma_wait3A_115 : memref<1x128xi32, #tpu.memory_space<vmem>> -> memref<128xi32, #tpu.memory_space<vmem>>
      %dma_wait3A_117 = arith.constant 0 : i32
      %dma_wait3A_118 = arith.constant 0 : i32
      %dma_wait3A_119 = tpu.memref_slice %arg12[%dma_wait3A_117, %dma_wait3A_118] : memref<10240x128xf32, #tpu.memory_space<vmem_shared>> -> memref<10240x128xf32, #tpu.memory_space<vmem_shared>>
      tpu.wait_indirect_dma semaphore(%run_scoped3A_107 : memref<!tpu.dma_semaphore, #tpu.memory_space<semaphore_mem>>) src(%arg11 : memref<128x128xf32, #tpu.memory_space<vmem>>) dst(%dma_wait3A_119 : memref<10240x128xf32, #tpu.memory_space<vmem_shared>>)
      tpu.yield
    }) : () -> ()
    %barrier3A_106 = arith.constant 0 : index
    tpu.barrier barrier_id(%barrier3A_106)
    "tpu.region"() ({
      %run_scoped3A_107 = tpu.sem_alloc : memref<!tpu.dma_semaphore, #tpu.memory_space<semaphore_mem>>
      %dma_start3A_108 = arith.constant 0 : i32
      %dma_start3A_109 = tpu.memref_slice %arg7[%arg0, %mul3A_2, %dma_start3A_108] : memref<2x10240x128xf32, #tpu.memory_space<hbm>> -> memref<1x640x128xf32, #tpu.memory_space<hbm>>
      %dma_start3A_110 = tpu.memref_squeeze %dma_start3A_109 : memref<1x640x128xf32, #tpu.memory_space<hbm>> -> memref<640x128xf32, #tpu.memory_space<hbm>>
      %dma_start3A_111 = arith.constant 0 : i32
      %dma_start3A_112 = tpu.memref_slice %arg12[%mul3A_2, %dma_start3A_111] : memref<10240x128xf32, #tpu.memory_space<vmem_shared>> -> memref<640x128xf32, #tpu.memory_space<vmem_shared>>
      tpu.enqueue_dma source(%dma_start3A_112 : memref<640x128xf32, #tpu.memory_space<vmem_shared>>) target(%dma_start3A_110 : memref<640x128xf32, #tpu.memory_space<hbm>>) target_semaphore(%run_scoped3A_107 : memref<!tpu.dma_semaphore, #tpu.memory_space<semaphore_mem>>)
      %dma_wait3A_113 = arith.constant 0 : i32
      %dma_wait3A_114 = tpu.memref_slice %arg7[%arg0, %mul3A_2, %dma_wait3A_113] : memref<2x10240x128xf32, #tpu.memory_space<hbm>> -> memref<1x640x128xf32, #tpu.memory_space<hbm>>
      %dma_wait3A_115 = tpu.memref_squeeze %dma_wait3A_114 : memref<1x640x128xf32, #tpu.memory_space<hbm>> -> memref<640x128xf32, #tpu.memory_space<hbm>>
      %dma_wait3A_116 = arith.constant 0 : i32
      %dma_wait3A_117 = tpu.memref_slice %arg12[%mul3A_2, %dma_wait3A_116] : memref<10240x128xf32, #tpu.memory_space<vmem_shared>> -> memref<640x128xf32, #tpu.memory_space<vmem_shared>>
      tpu.wait_dma2 semaphore(%run_scoped3A_107 : memref<!tpu.dma_semaphore, #tpu.memory_space<semaphore_mem>>) src(%dma_wait3A_117 : memref<640x128xf32, #tpu.memory_space<vmem_shared>>) dst(%dma_wait3A_115 : memref<640x128xf32, #tpu.memory_space<hbm>>)
      tpu.yield
    }) : () -> ()
    return
  }
}

module attributes {stable_mosaic.version = 14 : i64} {
  func.func @_gin_tc_body(%arg0: memref<10000x128xf32, #tpu.memory_space<vmem>>, %arg1: memref<2x10240x128xf32, #tpu.memory_space<vmem>>, %arg2: memref<128x128xf32, #tpu.memory_space<vmem>>, %arg3: memref<1x128xf32, #tpu.memory_space<vmem>>, %arg4: memref<128x128xf32, #tpu.memory_space<vmem>>, %arg5: memref<1x128xf32, #tpu.memory_space<vmem>>, %arg6: memref<1x1xf32, #tpu.memory_space<vmem>>, %arg7: memref<1x128xf32, #tpu.memory_space<vmem>>, %arg8: memref<1x128xf32, #tpu.memory_space<vmem>>, %arg9: memref<10000x128xf32, #tpu.memory_space<vmem>>) attributes {dimension_semantics = [], scalar_prefetch = 0 : i64, scratch_operands = 0 : i64, tpu.core_type = #tpu.core_type<tc>} {
    %get3A = arith.constant 0 : index
    %get3A_0 = arith.constant 0 : index
    %get3A_1 = vector.load %arg0[%get3A, %get3A_0] : memref<10000x128xf32, #tpu.memory_space<vmem>>, vector<10000x128xf32>
    %get3A_2 = arith.constant 0 : index
    %get3A_3 = arith.constant 0 : index
    %get3A_4 = arith.constant 0 : index
    %get3A_5 = vector.load %arg1[%get3A_2, %get3A_3, %get3A_4] : memref<2x10240x128xf32, #tpu.memory_space<vmem>>, vector<1x10000x128xf32>
    %get3A_6 = vector.shape_cast %get3A_5 : vector<1x10000x128xf32> to vector<10000x128xf32>
    %get3A_7 = arith.constant 1 : index
    %get3A_8 = arith.constant 0 : index
    %get3A_9 = arith.constant 0 : index
    %get3A_10 = vector.load %arg1[%get3A_7, %get3A_8, %get3A_9] : memref<2x10240x128xf32, #tpu.memory_space<vmem>>, vector<1x10000x128xf32>
    %get3A_11 = vector.shape_cast %get3A_10 : vector<1x10000x128xf32> to vector<10000x128xf32>
    %add3A = arith.addf %get3A_6, %get3A_11 : vector<10000x128xf32>
    %get3A_12 = arith.constant 0 : index
    %get3A_13 = arith.constant 0 : index
    %get3A_14 = vector.load %arg6[%get3A_12, %get3A_13] : memref<1x1xf32, #tpu.memory_space<vmem>>, vector<1x1xf32>
    %get3A_15 = vector.extract %get3A_14[0, 0] : f32 from vector<1x1xf32>
    %add3A_16 = arith.constant 1.000000e+00 : f32
    %add3A_17 = arith.addf %add3A_16, %get3A_15 : f32
    %mul3A = vector.broadcast %add3A_17 : f32 to vector<10000x128xf32>
    %mul3A_18 = arith.mulf %mul3A, %get3A_1 : vector<10000x128xf32>
    %add3A_19 = arith.addf %mul3A_18, %add3A : vector<10000x128xf32>
    %get3A_20 = arith.constant 0 : index
    %get3A_21 = arith.constant 0 : index
    %get3A_22 = vector.load %arg2[%get3A_20, %get3A_21] : memref<128x128xf32, #tpu.memory_space<vmem>>, vector<128x128xf32>
    %dot_general3A = arith.constant dense<0.000000e+00> : vector<10000x128xf32>
    %dot_general3A_23 = tpu.matmul %add3A_19, %get3A_22, %dot_general3A {dimension_numbers = #tpu.dot_dimension_numbers<[1], [0], [0], [1], [0, 0, 1, 1], [], []>, transpose_lhs_hint = false} : vector<10000x128xf32>, vector<128x128xf32>, vector<10000x128xf32> -> vector<10000x128xf32>
    %get3A_24 = arith.constant 0 : index
    %get3A_25 = arith.constant 0 : index
    %get3A_26 = vector.load %arg3[%get3A_24, %get3A_25] : memref<1x128xf32, #tpu.memory_space<vmem>>, vector<1x128xf32>
    %add3A_27 = vector.broadcast %get3A_26 : vector<1x128xf32> to vector<10000x128xf32>
    %add3A_28 = arith.addf %dot_general3A_23, %add3A_27 : vector<10000x128xf32>
    %max3A = arith.constant 0.000000e+00 : f32
    %max3A_29 = vector.broadcast %max3A : f32 to vector<10000x128xf32>
    %max3A_30 = arith.maximumf %add3A_28, %max3A_29 : vector<10000x128xf32>
    %get3A_31 = arith.constant 0 : index
    %get3A_32 = arith.constant 0 : index
    %get3A_33 = vector.load %arg4[%get3A_31, %get3A_32] : memref<128x128xf32, #tpu.memory_space<vmem>>, vector<128x128xf32>
    %dot_general3A_34 = arith.constant dense<0.000000e+00> : vector<10000x128xf32>
    %dot_general3A_35 = tpu.matmul %max3A_30, %get3A_33, %dot_general3A_34 {dimension_numbers = #tpu.dot_dimension_numbers<[1], [0], [0], [1], [0, 0, 1, 1], [], []>, transpose_lhs_hint = false} : vector<10000x128xf32>, vector<128x128xf32>, vector<10000x128xf32> -> vector<10000x128xf32>
    %get3A_36 = arith.constant 0 : index
    %get3A_37 = arith.constant 0 : index
    %get3A_38 = vector.load %arg5[%get3A_36, %get3A_37] : memref<1x128xf32, #tpu.memory_space<vmem>>, vector<1x128xf32>
    %add3A_39 = vector.broadcast %get3A_38 : vector<1x128xf32> to vector<10000x128xf32>
    %add3A_40 = arith.addf %dot_general3A_35, %add3A_39 : vector<10000x128xf32>
    %reduce_sum3A = arith.constant dense<0.000000e+00> : vector<128xf32>
    %reduce_sum3A_41 = vector.multi_reduction <add>, %add3A_40, %reduce_sum3A [0] : vector<10000x128xf32> to vector<128xf32>
    %broadcast_in_dim3A = vector.shape_cast %reduce_sum3A_41 : vector<128xf32> to vector<1x128xf32>
    %div3A = arith.constant 1.000000e+04 : f32
    %div3A_42 = vector.broadcast %div3A : f32 to vector<1x128xf32>
    %div3A_43 = arith.divf %broadcast_in_dim3A, %div3A_42 : vector<1x128xf32>
    %sub3A = vector.broadcast %div3A_43 : vector<1x128xf32> to vector<10000x128xf32>
    %sub3A_44 = arith.subf %add3A_40, %sub3A : vector<10000x128xf32>
    %integer_pow3A = arith.mulf %sub3A_44, %sub3A_44 : vector<10000x128xf32>
    %reduce_sum3A_45 = arith.constant dense<0.000000e+00> : vector<128xf32>
    %reduce_sum3A_46 = vector.multi_reduction <add>, %integer_pow3A, %reduce_sum3A_45 [0] : vector<10000x128xf32> to vector<128xf32>
    %broadcast_in_dim3A_47 = vector.shape_cast %reduce_sum3A_46 : vector<128xf32> to vector<1x128xf32>
    %div3A_48 = arith.constant 1.000000e+04 : f32
    %div3A_49 = vector.broadcast %div3A_48 : f32 to vector<1x128xf32>
    %div3A_50 = arith.divf %broadcast_in_dim3A_47, %div3A_49 : vector<1x128xf32>
    %sub3A_51 = vector.broadcast %div3A_43 : vector<1x128xf32> to vector<10000x128xf32>
    %sub3A_52 = arith.subf %add3A_40, %sub3A_51 : vector<10000x128xf32>
    %add3A_53 = arith.constant 9.99999974E-6 : f32
    %add3A_54 = vector.broadcast %add3A_53 : f32 to vector<1x128xf32>
    %add3A_55 = arith.addf %div3A_50, %add3A_54 : vector<1x128xf32>
    %rsqrt3A = math.rsqrt %add3A_55 : vector<1x128xf32>
    %mul3A_56 = vector.broadcast %rsqrt3A : vector<1x128xf32> to vector<10000x128xf32>
    %mul3A_57 = arith.mulf %sub3A_52, %mul3A_56 : vector<10000x128xf32>
    %get3A_58 = arith.constant 0 : index
    %get3A_59 = arith.constant 0 : index
    %get3A_60 = vector.load %arg7[%get3A_58, %get3A_59] : memref<1x128xf32, #tpu.memory_space<vmem>>, vector<1x128xf32>
    %mul3A_61 = vector.broadcast %get3A_60 : vector<1x128xf32> to vector<10000x128xf32>
    %mul3A_62 = arith.mulf %mul3A_57, %mul3A_61 : vector<10000x128xf32>
    %get3A_63 = arith.constant 0 : index
    %get3A_64 = arith.constant 0 : index
    %get3A_65 = vector.load %arg8[%get3A_63, %get3A_64] : memref<1x128xf32, #tpu.memory_space<vmem>>, vector<1x128xf32>
    %add3A_66 = vector.broadcast %get3A_65 : vector<1x128xf32> to vector<10000x128xf32>
    %add3A_67 = arith.addf %mul3A_62, %add3A_66 : vector<10000x128xf32>
    %max3A_68 = arith.constant 0.000000e+00 : f32
    %max3A_69 = vector.broadcast %max3A_68 : f32 to vector<10000x128xf32>
    %max3A_70 = arith.maximumf %add3A_67, %max3A_69 : vector<10000x128xf32>
    %add3A_71 = arith.addf %get3A_1, %max3A_70 : vector<10000x128xf32>
    %swap3A = arith.constant 0 : index
    %swap3A_72 = arith.constant 0 : index
    %swap3A_73 = vector.load %arg9[%swap3A, %swap3A_72] : memref<10000x128xf32, #tpu.memory_space<vmem>>, vector<10000x128xf32>
    tpu.vector_store %arg9[%swap3A, %swap3A_72], %add3A_71 {strides = array<i32>} : memref<10000x128xf32, #tpu.memory_space<vmem>>, vector<10000x128xf32>,
    return
  }
}

</mosaic_0001>

<sc_bundles>
// kernel: kernel.4.cloned.1.call-start
scs
__scs_entry_jumppad:
0x0: {  	(pc) =	sbr.rel $0x88, $3  }
0x1: {  	(tag) =	ssettag $0x0;
	lr =	simm.s32 $0x1  }
0x2: {  	[smem:$0x3F98] =	sst lr;
	_ =	strace $0xD0000000  }
0x3: {  	_ = 	snop  }
0x4: {  	_ = 	snop  }
0x5: {  	_ = 	snop  }
0x6: {  	_ = 	snop  }
0x7: {  	_ = 	snop  }
__scs_overlays_trampoline_lowered:
0x8: {  	[smem:$0x3FA7] =	sst s0  }
0x9: {  	[smem:$0x3FA8] =	sst s1  }
0xa: {  	[smem:$0x3FA9] =	sst s2  }
0xb: {  	[smem:$0x3FAA] =	sst s3  }
0xc: {  	[smem:$0x3FAB] =	sst s4  }
0xd: {  	[smem:$0x3FAC] =	sst s5  }
0xe: {  	[smem:$0x3FAD] =	sst s6  }
0xf: {  	[smem:$0x3FAE] =	sst s7  }
0x10: {  	[smem:$0x3FAF] =	sst s8  }
0x11: {  	[smem:$0x3FB0] =	sst s9;
	s0 =	simm.s32 @!p0 $0x0  }
0x12: {  	s1 =	sld [smem:$0x3F96];
	s0 =	simm.s32 @p0 $0x1  }
0x13: {  	[smem:$0x3FB1] =	sst s0;
	s0 =	simm.s32 @!p1 $0x0  }
0x14: {  	s2 =	sld [smem:$0x3F95];
	s0 =	simm.s32 @p1 $0x1  }
0x15: {  	[smem:$0x3FB2] =	sst s0;
	s0 =	simm.s32 @!p2 $0x0  }
0x16: {  	s3 =	sld [smem:$0x3FDB];
	s0 =	simm.s32 @p2 $0x1  }
0x17: {  	s4 =	simm.s32 $0x1BF5;
	[smem:$0x3FB4] =	sst s0  }
0x18: {  	s0 =	sld [smem:$0x3F97];
	_ =	swait.ge [sflag:s4], $0x0  }
0x19: {  	s7 =	sld [smem:$0x3F98]  }
0x1a: {  	s8 =	sadd.s32 $0xFFFFE003, lr  }
0x1b: {  	s9 =	sadd.s32 $0xFFFFFEF7, lr;
	s5 =	simm.s32 $0xFFFFFFFF;
	p2 =	slt.u32 s8, $0xFFFFF086  }
0x1c: {  	p1 =	slt.u32 s9, $0xF7A;
	s5 =	simm.s32 @!p2 $0x0  }
0x1d: {  	s5 =	simm.s32 @p1 $0x1;
	p0 =	seq.s32 s7, s2  }
0x1e: {  	s7 =	smul.u32 @!p0 $0xF7A, s2;
	p2 =	seq.s32 @!p0 s5, $0x0  }
0x1f: {  	s9 =	smul.u32 $0xF7A, s1;
	s8 =	simm.s32 @!p0 $0x1BF5;
	p2 =	por !p2, p0  }
0x20: {  	[sflag:s8] =	ssyncset.s32 @!p0 $0xFFFFF086;
	s6 =	sadd.s32 @!p0 s3, s7;
	s7 =	simm.s32 @!p0 $0x108  }
0x21: {  	s3 =	sadd.s32 s3, s9;
	s6 =	sadd.s32 @!p0 $0x88, s6;
	s7 =	simm.s32 @p2 $0x1082  }
0x22: {  	[simem:s7], [sflag:s8] =	dma.local @!p0 [hbm:s6], $0xF7A  }
0x23: {  	s9 =	sor.u32 $0xD0000000, s2;
	s6 =	simm.s32 $0x108;
	_ =	swait.ge @!p0 [sflag:s8], $0x0  }
0x24: {  	s3 =	sadd.s32 $0x88, s3;
	s6 =	simm.s32 @!p1 $0x1082;
	[sflag:s4] =	ssyncset.s32 $0xFFFFF086  }
0x25: {  	[simem:s6], [sflag:s4] =	dma.local [hbm:s3], $0xF7A  }
0x26: {  	[smem:$0x3F98] =	sst s1;
	(tag) =	ssettag s2;
	_ =	strace s9  }
0x27: {  	s1 =	sld [smem:$0x3FA8]  }
0x28: {  	s2 =	sld [smem:$0x3FA9]  }
0x29: {  	s4 =	sld [smem:$0x3FAB]  }
0x2a: {  	p0 =	seq.s32 s5, $0x0;
	s5 =	sld [smem:$0x3FAC]  }
0x2b: {  	s6 =	sld [smem:$0x3FAD]  }
0x2c: {  	s7 =	sld [smem:$0x3FAE]  }
0x2d: {  	s3 =	simm.s32 $0x108;
	s8 =	sld [smem:$0x3FAF]  }
0x2e: {  	s3 =	simm.s32 @!p0 $0x1082;
	s9 =	sld [smem:$0x3FB0]  }
0x2f: {  	lr =	sadd.s32 s0, s3;
	s0 =	sld [smem:$0x3FA7]  }
0x30: {  	s3 =	sld [smem:$0x3FAA]  }
0x31: {  	[smem:$0x3FB3] =	sst s10  }
0x32: {  	s10 =	sld [smem:$0x3FB1];
	_ =	sdelay $0x3  }
0x33: {  	p0 =	seq.s32 s10, $0x1;
	s10 =	sld [smem:$0x3FB3];
	_ =	sdelay $0x3  }
0x34: {  	[smem:$0x3FB3] =	sst s10  }
0x35: {  	s10 =	sld [smem:$0x3FB2];
	_ =	sdelay $0x3  }
0x36: {  	p1 =	seq.s32 s10, $0x1;
	s10 =	sld [smem:$0x3FB3];
	_ =	sdelay $0x3  }
0x37: {  	[smem:$0x3FB3] =	sst s10  }
0x38: {  	s10 =	sld [smem:$0x3FB4]  }
0x39: {  	_ = 	snop;
	(pc) =	sbr.ind lr, $3  }
0x3a: {  	_ = 	snop  }
0x3b: {  	_ = 	snop  }
0x3c: {  	p2 =	seq.s32 s10, $0x1;
	s10 =	sld [smem:$0x3FB3]  }
0x3d: {  	_ =	shalt  }
0x3e: {  	_ =	shalt  }
0x3f: {  	_ =	shalt  }
0x40: {  	_ =	shalt  }
0x41: {  	_ =	shalt  }
0x42: {  	_ =	shalt  }
0x43: {  	_ =	shalt  }
0x44: {  	_ =	shalt  }
0x45: {  	_ =	shalt  }
0x46: {  	_ =	shalt  }
0x47: {  	_ =	shalt  }
0x48: {  	_ =	shalt  }
0x49: {  	_ =	shalt  }
0x4a: {  	_ =	shalt  }
0x4b: {  	_ =	shalt  }
0x4c: {  	_ =	shalt  }
0x4d: {  	_ =	shalt  }
0x4e: {  	_ =	shalt  }
0x4f: {  	_ =	shalt  }
0x50: {  	_ =	shalt  }
0x51: {  	_ =	shalt  }
0x52: {  	_ =	shalt  }
0x53: {  	_ =	shalt  }
0x54: {  	_ =	shalt  }
0x55: {  	_ =	shalt  }
0x56: {  	_ =	shalt  }
0x57: {  	_ =	shalt  }
0x58: {  	_ =	shalt  }
0x59: {  	_ =	shalt  }
0x5a: {  	_ =	shalt  }
0x5b: {  	_ =	shalt  }
0x5c: {  	_ =	shalt  }
0x5d: {  	_ =	shalt  }
0x5e: {  	_ =	shalt  }
0x5f: {  	_ =	shalt  }
0x60: {  	_ =	shalt  }
0x61: {  	_ =	shalt  }
0x62: {  	_ =	shalt  }
0x63: {  	_ =	shalt  }
0x64: {  	_ =	shalt  }
0x65: {  	_ =	shalt  }
0x66: {  	_ =	shalt  }
0x67: {  	_ =	shalt  }
0x68: {  	_ =	shalt  }
0x69: {  	_ =	shalt  }
0x6a: {  	_ =	shalt  }
0x6b: {  	_ =	shalt  }
0x6c: {  	_ =	shalt  }
0x6d: {  	_ =	shalt  }
0x6e: {  	_ =	shalt  }
0x6f: {  	_ =	shalt  }
0x70: {  	_ =	shalt  }
0x71: {  	_ =	shalt  }
0x72: {  	_ =	shalt  }
0x73: {  	_ =	shalt  }
0x74: {  	_ =	shalt  }
0x75: {  	_ =	shalt  }
0x76: {  	_ =	shalt  }
0x77: {  	_ =	shalt  }
0x78: {  	_ =	shalt  }
0x79: {  	_ =	shalt  }
0x7a: {  	_ =	shalt  }
0x7b: {  	_ =	shalt  }
0x7c: {  	_ =	shalt  }
0x7d: {  	_ =	shalt  }
0x7e: {  	_ =	shalt  }
0x7f: {  	_ =	shalt  }
0x80: {  	_ =	shalt  }
0x81: {  	_ =	shalt  }
0x82: {  	_ =	shalt  }
0x83: {  	_ =	shalt  }
0x84: {  	_ =	shalt  }
0x85: {  	_ =	shalt  }
0x86: {  	_ =	shalt  }
0x87: {  	_ =	shalt  }
.Lfunc_end0:
.L_simem_size_0:
called_computation_lowered:
.L_overlay_start_0:
0x88: {  	s2 =	sld [smem:$0x3FD9]  }
0x89: {  	s3 =	sld [smem:$0x3FFE];
	_ =	sdelay $0x1  }
0x8a: {  	s1 =	srdreg.scid  }
0x8b: {  	s0 =	sand.u32 $0x1, s1  }
0x8c: {  	s17 =	sshll.u32 s0, $0xA;
	s2 =	sadd.s32 s3, s2  }
0x8d: {  	s2 =	sadd.s32 s2, s17  }
0x8e: {  	[smem:$0x3FBF] =	sst s2  }
0x8f: {  	_ = 	snop  }
0x90: {  	s2 =	sld [smem:$0x3FC9]  }
0x91: {  	s18 =	sld [smem:$0x3FD0];
	(tm) =	ssettm $0x1  }
0x92: {  	s4 =	sld [smem:$0x3FFB];
	_ =	sdelay $0x3  }
0x93: {  	_ =	strace s4  }
0x94: {  	s4 =	sld [smem:$0x3FFC];
	_ =	sdelay $0x3  }
0x95: {  	_ =	strace s4  }
0x96: {  	s4 =	sld [smem:$0x3FFD];
	_ =	sdelay $0x3  }
0x97: {  	_ =	strace s4  }
0x98: {  	_ =	strace $0x8FFFFFFF  }
0x99: {  	s19 =	sld [smem:$0x3FDB];
	_ =	sdelay $0x1  }
0x9a: {  	s5 =	simm.s32 $_scs_section_size  }
0x9b: {  	s6 =	simm.s32 $_size__tile_overlayer_lowered;
	s7 =	simm.s32 $_tile_overlayer_lowered  }
0x9c: {  	s22 =	simm.s32 $0x1BFF;
	s21 =	sshll.u32 s7, $0x1;
	s4 =	sadd.s32 s5, s19  }
0x9d: {  	s8 =	simm.s32 $0x0;
	s20 =	sshll.u32 s6, $0x1;
	s6 =	sadd.s32 s21, s4  }
0x9e: {  	[timem:s8], [sflag:s22] =	dma.local [hbm:s6], s20  }
0x9f: {  	_ =	swait.ge [sflag:s22], s20  }
0xa0: {  	s5 =	ssub.s32 $0x0, s20;
	[sflag:s22] =	ssyncset.done $0x0  }
0xa1: {  	[sflag:s22] =	ssyncadd.s32 s5;
	_ =	sdelay $0x1  }
0xa2: {  	s23 =	simm.s32 $0x1B8B  }
0xa3: {  	_ =	swait.ge [sflag:s23], $0x1  }
0xa4: {  	[sflag:s23] =	ssyncset.done $0x0  }
0xa5: {  	s25 =	simm.s32 $0x1B8E;
	s24 =	sld [smem:$0x3FFE];
	[sflag:s23] =	ssyncadd.s32 $0xFFFFFFFF  }
0xa6: {  	s26 =	simm.s32 $execute0_lowered;
	[smem:$0x3FD2] =	sst s25  }
0xa7: {  	s6 =	sshll.u32 s26, $0x1;
	_ =	strace $0x80000046;
	[dreg:$0x1] =	wrdreg $0xFFFFFFFF  }
0xa8: {  	s28 =	simm.s32 $_size_execute0_lowered;
	s4 =	sadd.s32 s4, s6;
	[dreg:$0x0] =	wrdreg $0x0  }
0xa9: {  	s6 =	sshll.u32 s28, $0x1;
	[dreg:$0x2] =	wrdreg s4  }
0xaa: {  	[dreg:$0x3] =	wrdreg s6  }
0xab: {  	[dreg:$0x4] =	wrdreg $0xC0  }
0xac: {  	_ =	task [dreg:s8], $0x5FFFF  }
0xad: {  	[dreg:$0x1] =	wrdreg $0xFFFFFFFF  }
0xae: {  	[dreg:$0x0] =	wrdreg $0x60  }
0xaf: {  	[dreg:$0x2] =	wrdreg s2  }
0xb0: {  	[dreg:$0x3] =	wrdreg s18  }
0xb1: {  	[dreg:$0x4] =	wrdreg s24  }
0xb2: {  	[dreg:$0x5] =	wrdreg $0xA8000  }
0xb3: {  	[dreg:$0x6] =	wrdreg $0x9  }
0xb4: {  	_ =	task.clear_ibuf [dreg:s8], $0x7FFFF;
	_ =	strace $0x90000046  }
0xb5: {  	s29 =	simm.s32 $0x9;
	_ =	strace $0x80000048  }
0xb6: {  	_ =	swait.ge [sflag:s29], $0x1  }
0xb7: {  	[sflag:s29] =	ssyncadd.s32 $0xFFFFFFFF  }
0xb8: {  	_ =	strace $0x90000048  }
0xb9: {  	_ =	sfence  }
0xba: {  	s30 =	sld [smem:$0x0];
	_ =	sdelay $0x2  }
0xbb: {  	s31 =	sshll.u32 s1, $0xD;
	s1 =	sshrl.u32 s1, $0x2  }
0xbc: {  	s3 =	sand.u32 $0x4000, s31;
	s1 =	sadd.s32 s1, s30  }
0xbd: {  	s0 =	sor.u32 s3, s0;
	s1 =	sshll.u32 s1, $0x11  }
0xbe: {  	s0 =	sor.u32 s1, s0  }
0xbf: {  	s0 =	sadd.s32 $0x8F2B, s0  }
0xc0: {  	[sflag:s0] =	ssyncadd.remote.s32 $0x1  }
0xc1: {  	_ =	sfence.sel $0xFFFF  }
0xc2: {  	[dreg:$0x0] =	wrdreg $0xFFFFFFFF;
	(pc) =	sbr.abs _section_cstart, $3  }
0xc3: {  	[dreg:$0x1] =	wrdreg $0xFFFFFFFF  }
0xc4: {  	_ =	task.clear_ibuf [dreg:s8], $0x2FFFF;
	_ =	strace $0x9FFFFFFF  }
0xc5: {  	(tm) =	ssettm $0x7FFFFFFF  }
tec
execute0_lowered:
.L_overlay_start_1:
0x0: {  	(tag) =	ssettag $0x1  }
0x1: {  	s1 =	rddreg [dreg:$0x0]  }
0x2: {  	s10 =	rddreg [dreg:$0x1]  }
0x3: {  	s12 =	rddreg [dreg:$0x2]  }
0x4: {  	s2 =	rddreg [dreg:$0x3];
	s3 =	srdreg.scid;
	s4 =	simm.s32 $0x0  }
0x5: {  	s28 =	simm.s32 $0x2780;
	s7 =	sand.u32 $0x1, s3;
	s3 =	stileid.u32  }
0x6: {  	s29 =	simm.s32 $0x0;
	[smem:$0x7FF] =	sst s4;
	s6 =	smul.u32 $0x140000, s7  }
0x7: {  	s5 =	sadd.s32 $0x1400, s12;
	s20 =	sadd.s32 $0x1A00, s12;
	s8 =	smul.u32 $0x14000, s3  }
0x8: {  	s22 =	sadd.s32 $0x1C80, s12;
	_ =	strace $0x80000047;
	s9 =	smul.u32 $0x50000, s3  }
0x9: {  	s23 =	ssub.s32 $0x2, s7;
	s7 =	sshll.u32 s7, $0x4;
	s25 =	sshll.u32 s3, $0x6  }
0xa: {  	s11 =	sshrl.u32 s23, $0x1;
	s14 =	sor.u32 s3, s7;
	s7 =	sor.u32 $0x1C03, s25  }
0xb: {  	s25 =	simm.s32 $0x2;
	s8 =	sadd.s32 s8, s6;
	s6 =	sadd.s32 $0x2000, s12  }
0xc: {  	s24 =	sshrl.u32 s9, $0x2;
	s26 =	smul.u32 $0x2800, s14;
	s16 =	ssub.s32 s23, s11  }
0xd: {  	s31 =	smul.u32 $0x500, s14;
	p0 =	seq.s32 s14, $0x1F;
	s14 =	sadd.s32 $0x1680, s12  }
0xe: {  	s23 =	simm.s32 $0x6800;
	s8 =	sshrl.u32 s8, $0x3;
	s15 =	sadd.s32 s24, s2  }
0xf: {  	s24 =	simm.s32 $0x1;
	s13 =	sadd.s32 s8, s12;
	s17 =	sadd.s32 $0x4000, s15  }
0x10: {  	s18 =	sadd.s32 $0x8000, s15;
	s30 =	sshrl.u32 s26, $0x3;
	s19 =	sadd.s32 $0xC000, s15  }
0x11: {  	s21 =	sadd.s32 $0x10000, s15;
	s11 =	sadd.s32 s10, s31;
	s26 =	simm.s32 $0x2700  }
0x12: {  	s8 =	sadd.s32 s10, s30;
	s10 =	sadd.s32 $0x280, s11;
	s11 =	sadd.s32 $0x9F00, s11  }
0x13: {  	s12 =	sadd.s32 $0x2800, s13;
	s13 =	smax.u32 s16, $0x1;
	s16 =	sshrl.u32 s17, $0x3  }
0x14: {  	s17 =	sshrl.u32 s18, $0x3;
	s18 =	sshrl.u32 s19, $0x3;
	s19 =	sshrl.u32 s21, $0x3  }
0x15: {  	s21 =	simm.s32 $0x80;
	s9 =	sadd.s32 $0x9C80, s8;
	s10 =	smov.u32 @p0 s14  }
0x16: {  	s11 =	smov.u32 @p0 s22;
	s14 =	sshrl.u32 s15, $0x3;
	s15 =	simm.s32 $0x3  }
0x17: {  	s22 =	simm.s32 $0x2800;
	s9 =	smov.u32 @p0 s20;
	s20 =	simm.s32 $0x1400  }
.LBB2_1:
0x18: {  	[spmem:s14], [sflag:s7] =	dma.local [hbm:s6], $0x800  }
0x19: {  	_ =	swait.ge [sflag:s15], $0x800  }
0x1a: {  	[sflag:s15] =	ssyncset.done $0x0  }
0x1b: {  	[sflag:s15] =	ssyncadd.s32 $0xFFFFF800  }
0x1c: {  	[spmem:s16], [sflag:s7] =	dma.local [hbm:s6], $0x800  }
0x1d: {  	_ =	swait.ge [sflag:s15], $0x800  }
0x1e: {  	[sflag:s15] =	ssyncset.done $0x0  }
0x1f: {  	[sflag:s15] =	ssyncadd.s32 $0xFFFFF800  }
0x20: {  	[spmem:s17], [sflag:s7] =	dma.local [hbm:s6], $0x800  }
0x21: {  	_ =	swait.ge [sflag:s15], $0x800  }
0x22: {  	[sflag:s15] =	ssyncset.done $0x0  }
0x23: {  	[sflag:s15] =	ssyncadd.s32 $0xFFFFF800  }
0x24: {  	[spmem:s18], [sflag:s7] =	dma.local [hbm:s6], $0x800  }
0x25: {  	_ =	swait.ge [sflag:s15], $0x800  }
0x26: {  	[sflag:s15] =	ssyncset.done $0x0  }
0x27: {  	[sflag:s15] =	ssyncadd.s32 $0xFFFFF800  }
0x28: {  	[spmem:s19], [sflag:s7] =	dma.local [hbm:s6], $0x800  }
0x29: {  	_ =	swait.ge [sflag:s15], $0x800  }
0x2a: {  	[sflag:s15] =	ssyncset.done $0x0  }
0x2b: {  	[sflag:s15] =	ssyncadd.s32 $0xFFFFF800  }
0x2c: {  	s30 =	simm.s32 @p0 $0x0;
	[bflag:$0x0] =	sbarrier.arrive $0xFFFF  }
0x2d: {  	[tilespmem:s30], [sflag:$0x3] =	stream.linear.gather @p0 [hbm4b:s5+s30], $0x1400, $0x38;
	[tilespmem:$0x1E800] =	vst v63  }
0x2e: {  	s30 =	simm.s32 @p0 $0x3  }
0x2f: {  	_ =	swait.ge @p0 [sflag:s30], $0x1400  }
0x30: {  	[sflag:s30] =	ssyncset.done @p0 $0x0  }
0x31: {  	[sflag:s30] =	ssyncadd.s32 @p0 $0xFFFFEC00;
	s30 =	simm.s32 @!p0 $0x0  }
0x32: {  	[tilespmem:s30], [sflag:$0x3] =	stream.linear.gather @!p0 [hbm4b:s8+s30], $0x1400, $0x38;
	[tilespmem:$0x1E800] =	vst v63  }
0x33: {  	s30 =	simm.s32 @!p0 $0x3  }
0x34: {  	_ =	swait.ge @!p0 [sflag:s30], $0x1400  }
0x35: {  	[sflag:s30] =	ssyncset.done @!p0 $0x0  }
0x36: {  	[sflag:s30] =	ssyncadd.s32 @!p0 $0xFFFFEC00  }
0x37: {  	[tilespmem:s20], [sflag:$0x3] =	stream.linear.gather [hbm4b:s9+s4], $0x1400, $0x38;
	[tilespmem:$0x1E800] =	vst v63  }
0x38: {  	_ =	swait.ge [sflag:s15], $0x1400  }
0x39: {  	[sflag:s15] =	ssyncset.done $0x0  }
0x3a: {  	[sflag:s15] =	ssyncadd.s32 $0xFFFFEC00  }
0x3b: {  	[tilespmem:s22], [sflag:$0x1] =	stream.indirect.gather [hbm4b:s1+s21], $0x80, s4, s21, $0xb8;
	[tilespmem:$0x1E800] =	vst v63  }
0x3c: {  	_ = 	snop  }
0x3d: {  	[tilespmem:s23], [sflag:$0x2] =	stream.indirect.gather [hbm4b:s1+s21], $0x80, s21, s21, $0xb8;
	[tilespmem:$0x1E800] =	vst v63  }
0x3e: {  	_ =	swait.ge [sflag:s24], $0x4000  }
0x3f: {  	[sflag:s24] =	ssyncset.done $0x0  }
0x40: {  	s30 =	simm.s32 $0x1400;
	[sflag:s24] =	ssyncadd.s32 $0xFFFFC000  }
0x41: {  	[spmem:s2] =	stream.indirect.scatter.add.f32 [tilespmem:s22], [sflag:$0x3], $0x80, s30, s21, $0xb8;
	[tilespmem:$0x1E800] =	vst v63  }
0x42: {  	_ =	swait.ge [sflag:s15], $0x4000  }
0x43: {  	[sflag:s15] =	ssyncset.done $0x0  }
0x44: {  	s30 =	simm.s32 $0x100;
	[sflag:s15] =	ssyncadd.s32 $0xFFFFC000  }
0x45: {  	[tilespmem:s22], [sflag:$0x1] =	stream.indirect.gather [hbm4b:s1+s21], $0x80, s30, s21, $0xb8;
	[tilespmem:$0x1E800] =	vst v63  }
0x46: {  	_ =	swait.ge [sflag:s25], $0x4000  }
0x47: {  	[sflag:s25] =	ssyncset.done $0x0  }
0x48: {  	s30 =	simm.s32 $0x1480;
	[sflag:s25] =	ssyncadd.s32 $0xFFFFC000  }
0x49: {  	[spmem:s2] =	stream.indirect.scatter.add.f32 [tilespmem:s23], [sflag:$0x3], $0x80, s30, s21, $0xb8;
	[tilespmem:$0x1E800] =	vst v63  }
0x4a: {  	_ =	swait.ge [sflag:s15], $0x4000  }
0x4b: {  	[sflag:s15] =	ssyncset.done $0x0  }
0x4c: {  	s31 =	simm.s32 $0x180;
	s30 =	simm.s32 $0x400;
	[sflag:s15] =	ssyncadd.s32 $0xFFFFC000  }
.LBB2_2:
0x4d: {  	[tilespmem:s23], [sflag:$0x2] =	stream.indirect.gather [hbm4b:s1+s21], $0x80, s31, s21, $0xb8;
	[tilespmem:$0x1E800] =	vst v63  }
0x4e: {  	s31 =	smov.u32 s30  }
0x4f: {  	p1 =	sne.s32 s30, $0x4800;
	s30 =	sadd.s32 $0x400, s30;
	_ =	swait.ge [sflag:s24], $0x4000  }
0x50: {  	s31 =	sshra.s32 s31, $0x2;
	[sflag:s24] =	ssyncset.done $0x0  }
0x51: {  	s0 =	sadd.s32 $0x1400, s31;
	[sflag:s24] =	ssyncadd.s32 $0xFFFFC000  }
0x52: {  	[spmem:s2] =	stream.indirect.scatter.add.f32 [tilespmem:s22], [sflag:$0x3], $0x80, s0, s21, $0xb8;
	[tilespmem:$0x1E800] =	vst v63  }
0x53: {  	_ =	swait.ge [sflag:s15], $0x4000  }
0x54: {  	[sflag:s15] =	ssyncset.done $0x0  }
0x55: {  	s0 =	sadd.s32 $0x100, s31;
	[sflag:s15] =	ssyncadd.s32 $0xFFFFC000  }
0x56: {  	[tilespmem:s22], [sflag:$0x1] =	stream.indirect.gather [hbm4b:s1+s21], $0x80, s0, s21, $0xb8;
	[tilespmem:$0x1E800] =	vst v63  }
0x57: {  	_ =	swait.ge [sflag:s25], $0x4000  }
0x58: {  	[sflag:s25] =	ssyncset.done $0x0  }
.Ltmp0:
0x59: {  	s0 =	sadd.s32 $0x1480, s31;
	[sflag:s25] =	ssyncadd.s32 $0xFFFFC000;
	(pc) =	sbr.rel @p1 .LBB2_2-.Ltmp0, $4  }
0x5a: {  	[spmem:s2] =	stream.indirect.scatter.add.f32 [tilespmem:s23], [sflag:$0x3], $0x80, s0, s21, $0xb8;
	[tilespmem:$0x1E800] =	vst v63  }
0x5b: {  	_ =	swait.ge [sflag:s15], $0x4000  }
0x5c: {  	[sflag:s15] =	ssyncset.done $0x0  }
0x5d: {  	s31 =	sadd.s32 $0x180, s31;
	[sflag:s15] =	ssyncadd.s32 $0xFFFFC000  }
0x5e: {  	[tilespmem:s23], [sflag:$0x2] =	stream.indirect.gather [hbm4b:s1+s21], $0x80, s31, s21, $0xb8;
	[tilespmem:$0x1E800] =	vst v63  }
0x5f: {  	_ =	swait.ge [sflag:s24], $0x4000  }
0x60: {  	[sflag:s24] =	ssyncset.done $0x0  }
0x61: {  	[sflag:s24] =	ssyncadd.s32 $0xFFFFC000  }
0x62: {  	[spmem:s2] =	stream.indirect.scatter.add.f32 [tilespmem:s22], [sflag:$0x3], $0x80, s26, s21, $0xb8;
	[tilespmem:$0x1E800] =	vst v63  }
0x63: {  	_ =	swait.ge [sflag:s15], $0x4000  }
0x64: {  	[sflag:s15] =	ssyncset.done $0x0  }
0x65: {  	[sflag:s15] =	ssyncadd.s32 $0xFFFFC000  }
0x66: {  	_ =	swait.ge [sflag:s25], $0x4000  }
0x67: {  	[sflag:s25] =	ssyncset.done $0x0  }
0x68: {  	[sflag:s25] =	ssyncadd.s32 $0xFFFFC000  }
0x69: {  	[spmem:s2] =	stream.indirect.scatter.add.f32 [tilespmem:s23], [sflag:$0x3], $0x80, s28, s21, $0xb8;
	[tilespmem:$0x1E800] =	vst v63  }
0x6a: {  	_ =	swait.ge [sflag:s15], $0x4000  }
0x6b: {  	[sflag:s15] =	ssyncset.done $0x0  }
0x6c: {  	s0 =	simm.s32 $0x0;
	[sflag:s15] =	ssyncadd.s32 $0xFFFFC000  }
0x6d: {  	[tilespmem:s0], [sflag:$0x3] =	stream.linear.gather [hbm4b:s10+s0], $0x1400, $0x38;
	[tilespmem:$0x1E800] =	vst v63  }
0x6e: {  	_ =	swait.ge [sflag:s15], $0x1400  }
0x6f: {  	[sflag:s15] =	ssyncset.done $0x0  }
0x70: {  	[sflag:s15] =	ssyncadd.s32 $0xFFFFEC00  }
0x71: {  	[tilespmem:s20], [sflag:$0x3] =	stream.linear.gather [hbm4b:s11+s0], $0x1400, $0x38;
	[tilespmem:$0x1E800] =	vst v63  }
0x72: {  	_ =	swait.ge [sflag:s15], $0x1400  }
0x73: {  	[sflag:s15] =	ssyncset.done $0x0  }
0x74: {  	[sflag:s15] =	ssyncadd.s32 $0xFFFFEC00  }
0x75: {  	[tilespmem:s22], [sflag:$0x1] =	stream.indirect.gather [hbm4b:s1+s21], $0x80, s0, s21, $0xb8;
	[tilespmem:$0x1E800] =	vst v63  }
0x76: {  	_ = 	snop  }
0x77: {  	[tilespmem:s23], [sflag:$0x2] =	stream.indirect.gather [hbm4b:s1+s21], $0x80, s21, s21, $0xb8;
	[tilespmem:$0x1E800] =	vst v63  }
0x78: {  	_ =	swait.ge [sflag:s24], $0x4000  }
0x79: {  	[sflag:s24] =	ssyncset.done $0x0  }
0x7a: {  	s0 =	simm.s32 $0x1400;
	[sflag:s24] =	ssyncadd.s32 $0xFFFFC000  }
0x7b: {  	[spmem:s2] =	stream.indirect.scatter.add.f32 [tilespmem:s22], [sflag:$0x3], $0x80, s0, s21, $0xb8;
	[tilespmem:$0x1E800] =	vst v63  }
0x7c: {  	_ =	swait.ge [sflag:s15], $0x4000  }
0x7d: {  	[sflag:s15] =	ssyncset.done $0x0  }
0x7e: {  	s0 =	simm.s32 $0x100;
	[sflag:s15] =	ssyncadd.s32 $0xFFFFC000  }
0x7f: {  	[tilespmem:s22], [sflag:$0x1] =	stream.indirect.gather [hbm4b:s1+s21], $0x80, s0, s21, $0xb8;
	[tilespmem:$0x1E800] =	vst v63  }
0x80: {  	_ =	swait.ge [sflag:s25], $0x4000  }
0x81: {  	[sflag:s25] =	ssyncset.done $0x0  }
0x82: {  	s0 =	simm.s32 $0x1480;
	[sflag:s25] =	ssyncadd.s32 $0xFFFFC000  }
0x83: {  	[spmem:s2] =	stream.indirect.scatter.add.f32 [tilespmem:s23], [sflag:$0x3], $0x80, s0, s21, $0xb8;
	[tilespmem:$0x1E800] =	vst v63  }
0x84: {  	_ =	swait.ge [sflag:s15], $0x4000  }
0x85: {  	[sflag:s15] =	ssyncset.done $0x0  }
0x86: {  	s30 =	simm.s32 $0x400;
	s31 =	simm.s32 $0x180;
	[sflag:s15] =	ssyncadd.s32 $0xFFFFC000  }
.LBB2_4:
0x87: {  	[tilespmem:s23], [sflag:$0x2] =	stream.indirect.gather [hbm4b:s1+s21], $0x80, s31, s21, $0xb8;
	[tilespmem:$0x1E800] =	vst v63  }
0x88: {  	s0 =	smov.u32 s30  }
0x89: {  	p1 =	sne.s32 s30, $0x4800;
	s30 =	sadd.s32 $0x400, s30;
	_ =	swait.ge [sflag:s24], $0x4000  }
0x8a: {  	s0 =	sshra.s32 s0, $0x2;
	[sflag:s24] =	ssyncset.done $0x0  }
0x8b: {  	s31 =	sadd.s32 $0x1400, s0;
	[sflag:s24] =	ssyncadd.s32 $0xFFFFC000  }
0x8c: {  	[spmem:s2] =	stream.indirect.scatter.add.f32 [tilespmem:s22], [sflag:$0x3], $0x80, s31, s21, $0xb8;
	[tilespmem:$0x1E800] =	vst v63  }
0x8d: {  	_ =	swait.ge [sflag:s15], $0x4000  }
0x8e: {  	[sflag:s15] =	ssyncset.done $0x0  }
0x8f: {  	s31 =	sadd.s32 $0x100, s0;
	[sflag:s15] =	ssyncadd.s32 $0xFFFFC000  }
0x90: {  	[tilespmem:s22], [sflag:$0x1] =	stream.indirect.gather [hbm4b:s1+s21], $0x80, s31, s21, $0xb8;
	[tilespmem:$0x1E800] =	vst v63  }
0x91: {  	_ =	swait.ge [sflag:s25], $0x4000  }
0x92: {  	[sflag:s25] =	ssyncset.done $0x0  }
.Ltmp1:
0x93: {  	s31 =	sadd.s32 $0x1480, s0;
	[sflag:s25] =	ssyncadd.s32 $0xFFFFC000;
	(pc) =	sbr.rel @p1 .LBB2_4-.Ltmp1, $4  }
0x94: {  	[spmem:s2] =	stream.indirect.scatter.add.f32 [tilespmem:s23], [sflag:$0x3], $0x80, s31, s21, $0xb8;
	[tilespmem:$0x1E800] =	vst v63  }
0x95: {  	_ =	swait.ge [sflag:s15], $0x4000  }
0x96: {  	[sflag:s15] =	ssyncset.done $0x0  }
0x97: {  	s31 =	sadd.s32 $0x180, s0;
	[sflag:s15] =	ssyncadd.s32 $0xFFFFC000  }
0x98: {  	[tilespmem:s23], [sflag:$0x2] =	stream.indirect.gather [hbm4b:s1+s21], $0x80, s31, s21, $0xb8;
	[tilespmem:$0x1E800] =	vst v63  }
0x99: {  	_ =	swait.ge [sflag:s24], $0x4000  }
0x9a: {  	[sflag:s24] =	ssyncset.done $0x0  }
0x9b: {  	[sflag:s24] =	ssyncadd.s32 $0xFFFFC000  }
0x9c: {  	[spmem:s2] =	stream.indirect.scatter.add.f32 [tilespmem:s22], [sflag:$0x3], $0x80, s26, s21, $0xb8;
	[tilespmem:$0x1E800] =	vst v63  }
0x9d: {  	_ =	swait.ge [sflag:s15], $0x4000  }
0x9e: {  	[sflag:s15] =	ssyncset.done $0x0  }
0x9f: {  	[sflag:s15] =	ssyncadd.s32 $0xFFFFC000  }
0xa0: {  	_ =	swait.ge [sflag:s25], $0x4000  }
0xa1: {  	[sflag:s25] =	ssyncset.done $0x0  }
0xa2: {  	[sflag:s25] =	ssyncadd.s32 $0xFFFFC000  }
0xa3: {  	[spmem:s2] =	stream.indirect.scatter.add.f32 [tilespmem:s23], [sflag:$0x3], $0x80, s28, s21, $0xb8;
	[tilespmem:$0x1E800] =	vst v63  }
0xa4: {  	_ =	swait.ge [sflag:s15], $0x4000  }
0xa5: {  	s29 =	sadd.s32 $0x1, s29;
	[sflag:s15] =	ssyncset.done $0x0  }
0xa6: {  	p1 =	sne.s32 s29, s13;
	[sflag:s15] =	ssyncadd.s32 $0xFFFFC000  }
.Ltmp2:
0xa7: {  	[bflag:$0x0] =	sbarrier.arrive $0xFFFF;
	(pc) =	sbr.rel @p1 .LBB2_1-.Ltmp2, $4  }
0xa8: {  	[hbm:s12], [sflag:s7] =	dma.local [spmem:s14], $0x2800  }
0xa9: {  	_ =	swait.ge [sflag:s15], $0x2800  }
0xaa: {  	[sflag:s15] =	ssyncset.done $0x0  }
0xab: {  	[sflag:s15] =	ssyncadd.s32 $0xFFFFD800  }
0xac: {  	_ =	sfence.sel $0x180000  }
0xad: {  	[bflag:$0x0] =	sbarrier.arrive $0xFFFF  }
0xae: {  	_ =	strace $0x90000047  }
0xaf: {  	[bflag:$0x2] =	sbarrier.arrive $0xFFFF  }
0xb0: {  	p0 =	sne.s32 s3, $0x0;
	s0 =	rddreg [dreg:$0x4]  }
0xb1: {  	s0 =	sadd.s32 @!p0 $0x100000, s0  }
0xb2: {  	[sflag:s0] =	ssyncadd.tile.s32 @!p0 $0x1;
	_ =	shalt  }
.Lfunc_end2:
_tile_overlayer_lowered:
.L_overlay_start_2:
0xb3: {  	(tag) =	ssettag $0x2  }
0xb4: {  	s0 =	rddreg [dreg:$0x0];
	s2 =	stileid.u32  }
0xb5: {  	s1 =	rddreg [dreg:$0x1];
	p0 =	sne.s32 s2, $0x0  }
0xb6: {  	s3 =	rddreg [dreg:$0x2];
	[bflag:$0x3] =	sbarrier.arrive $0xFFFF;
	s2 =	simm.s32 @!p0 $0x1C03  }
0xb7: {  	[timem:s3], [sflag:s2] =	dma.local @!p0 [hbm:s0], s1  }
0xb8: {  	s0 =	simm.s32 @!p0 $0x3  }
0xb9: {  	_ =	swait.ge @!p0 [sflag:s0], s1  }
0xba: {  	s1 =	ssub.s32 @!p0 $0x0, s1;
	[sflag:s0] =	ssyncset.done @!p0 $0x0  }
0xbb: {  	[sflag:s0] =	ssyncadd.s32 @!p0 s1  }
0xbc: {  	[bflag:$0x3] =	sbarrier.arrive $0xFFFF  }
0xbd: {  	_ =	shalt  }

</sc_bundles>
